<compile_context>
chip_gen: v7x
topology: tpu7x:2x2x1
jax: 0.10.2.dev20260603
libtpu: 0.0.44.dev20260713+nightly
codegen_flags: <defaults>
</compile_context>

<pallas_src>
import functools

import jax
import jax.numpy as jnp
from jax import lax
from jax.experimental import pallas as pl
from jax.experimental.pallas import tpu as pltpu
from jax.experimental.pallas import tpu_sc as plsc

D_MODEL = 64
VOCAB = 66
NJ = 200
LANES = 16
CHUNK_OFFS = tuple(range(0, NJ - LANES + 1, LANES)) + (NJ - LANES,)
NBUF = 4
VOCAB_OFFS = tuple(range(0, VOCAB - LANES + 1, LANES)) + (VOCAB - LANES,)


@functools.lru_cache(maxsize=None)
def _make_sc_k(nb: int, ni: int):
    info = plsc.get_sparse_core_info()
    nc, ns = info.num_cores, info.num_subcores
    nw = nc * ns
    n_blocks = nb * ni
    assert n_blocks % nw == 0
    blocks_per_w = n_blocks // nw
    mesh = plsc.VectorSubcoreMesh(core_axis_name="c", subcore_axis_name="s")

    @functools.partial(
        pl.kernel,
        mesh=mesh,
        compiler_params=pltpu.CompilerParams(needs_layout_passes=False),
        out_type=jax.ShapeDtypeStruct((nb, ni, D_MODEL, NJ), jnp.float32),
        scratch_types=[
            pltpu.VMEM((VOCAB, 2 * D_MODEL), jnp.float32),
            pltpu.VMEM((D_MODEL * VOCAB,), jnp.float32),
            pltpu.VMEM((NBUF, NJ), jnp.int32),
            pltpu.VMEM((NBUF * D_MODEL, NJ), jnp.float32),
            pltpu.SemaphoreType.DMA((NBUF,)),
            pltpu.SemaphoreType.DMA((NBUF,)),
        ],
    )
    def sc_k_kernel(idx_hbm, tab_hbm, outk_hbm,
                    tab2, tab_t, idx_v, kblk, semi, semk):
        wid = lax.axis_index("s") * nc + lax.axis_index("c")
        base = wid * blocks_per_w

        def bi(blk):
            return blk // ni, blk % ni

        def start_idx(blk, u):
            b, i = bi(blk)
            pltpu.async_copy(idx_hbm.at[b, i], idx_v.at[u], semi.at[u])

        pltpu.sync_copy(tab_hbm, tab2)
        start_idx(base, 0)
        start_idx(base + 1, 1)
        lane_iota = lax.iota(jnp.int32, LANES)
        cvecs = tuple(lane_iota + co for co in VOCAB_OFFS)

        def t_body(d, carry):
            for ci, co in enumerate(VOCAB_OFFS):
                vals = plsc.load_gather(
                    tab2, [cvecs[ci], jnp.full((LANES,), d, jnp.int32)])
                tab_t[pl.ds(d * VOCAB + co, LANES)] = vals
            return carry

        lax.fori_loop(0, D_MODEL, t_body, 0, unroll=2)

        def block_body(t, carry):
            u = t % NBUF
            blk = base + t
            b, i = bi(blk)
            kb = kblk.at[pl.ds(u * D_MODEL, D_MODEL)]

            @pl.when(t >= NBUF)
            def _():
                pltpu.make_async_copy(kb, outk_hbm.at[b, i], semk.at[u]).wait()

            pltpu.make_async_copy(idx_hbm.at[b, i], idx_v.at[u],
                                  semi.at[u]).wait()

            addrs0 = tuple(
                idx_v[u, pl.ds(co, LANES)] for co in CHUNK_OFFS)
            n_g = len(addrs0)
            depth = 4

            def d_body(d, addrs):
                row = u * D_MODEL + d
                vals = [None] * n_g
                for g in range(n_g):
                    vals[g] = plsc.load_gather(tab_t, [addrs[g]])
                    if g >= depth:
                        kblk[row, pl.ds(CHUNK_OFFS[g - depth], LANES)] = (
                            vals[g - depth])
                for g in range(n_g - depth, n_g):
                    kblk[row, pl.ds(CHUNK_OFFS[g], LANES)] = vals[g]
                return tuple(a + VOCAB for a in addrs)

            lax.fori_loop(0, D_MODEL, d_body, addrs0, unroll=2)

            @pl.when(t + 2 < blocks_per_w)
            def _():
                start_idx(blk + 2, (u + 2) % NBUF)

            pltpu.async_copy(kb, outk_hbm.at[b, i], semk.at[u])
            return carry

        lax.fori_loop(0, blocks_per_w, block_body, 0)

        for t in range(blocks_per_w - NBUF, blocks_per_w):
            u = t % NBUF
            b, i = bi(base + t)
            kb = kblk.at[pl.ds(u * D_MODEL, D_MODEL)]
            pltpu.make_async_copy(kb, outk_hbm.at[b, i], semk.at[u]).wait()

    return sc_k_kernel


def _tc_v_body(idx_ref, tabt_ref, out_ref):
    tab_v = tabt_ref[...]
    iota_c = lax.broadcasted_iota(jnp.int32, (VOCAB, NJ), 0)
    for r in range(idx_ref.shape[1]):
        idx = idx_ref[0, r, :]
        onehot = jnp.where(idx[None, :] == iota_c, 1.0, 0.0)
        out_ref[0, r] = lax.dot_general(
            tab_v, onehot, (((1,), (0,)), ((), ())),
            preferred_element_type=jnp.float32)


@functools.lru_cache(maxsize=None)
def _make_tc_v(nb: int, ni: int):
    rows = 40
    grid = (nb, ni // rows)
    return pl.pallas_call(
        _tc_v_body,
        grid=grid,
        in_specs=[
            pl.BlockSpec((1, rows, NJ), lambda b, g: (b, g, 0)),
            pl.BlockSpec((D_MODEL, VOCAB), lambda b, g: (0, 0)),
        ],
        out_specs=pl.BlockSpec((1, rows, D_MODEL, NJ),
                               lambda b, g: (b, g, 0, 0)),
        out_shape=jax.ShapeDtypeStruct((nb, ni, D_MODEL, NJ), jnp.float32),
    )


def kernel(inputs, relation_type, parent_table, brother_table):
    table = parent_table if relation_type == "parent" else brother_table
    nb, ni = inputs.shape[0], inputs.shape[1]
    idx = inputs.astype(jnp.int32)
    outk = _make_sc_k(nb, ni)(idx, table)
    outv = _make_tc_v(nb, ni)(idx, table[:, D_MODEL:].T)
    return (outk.transpose(0, 1, 3, 2), outv.transpose(0, 1, 3, 2))

# --- scband reference (transcript-rebuilt; emitter-appended) ---
"""Pipeline reference for scband-relative-position-embedding-49409303773927 (READ-ONLY COPY).

The authoritative reference and input builder live on the scoring server;
editing this copy changes nothing except your own understanding.
"""

import jax, jax.numpy as jnp
import numpy as np

D_MODEL = 64
K = 32
VOCAB = 2 * K + 2  # 66


def setup_inputs(seed: int = 0) -> dict:
    key = jax.random.key(seed)
    k1, k2, k3 = jax.random.split(key, 3)
    inputs = jax.random.randint(k1, (4, 200, 200), 0, VOCAB, dtype=jnp.int64 if jax.config.read('jax_enable_x64') else jnp.int32)
    parent_table = jax.random.normal(k2, (VOCAB, 2 * D_MODEL), dtype=jnp.float32)
    brother_table = jax.random.normal(k3, (VOCAB, 2 * D_MODEL), dtype=jnp.float32)
    # padding_idx=0 -> row 0 is zeros
    parent_table = parent_table.at[0].set(0.0)
    brother_table = brother_table.at[0].set(0.0)
    # relation_type is a non-tensor selector; 0 selects the non-'parent' (brother) branch
    return {"inputs": inputs, "relation_type": 0, "parent_table": parent_table, "brother_table": brother_table}


def reference(inputs, relation_type, parent_table, brother_table):
    batch_size, max_size = inputs.shape[0], inputs.shape[1]
    # inputs.unsqueeze(3) then embedding lookup -> [B, S, S, 1, 2*d_model]
    idx = inputs[:, :, :, None]
    if relation_type == 'parent':
        position_emb = jnp.take(parent_table, idx, axis=0)
    else:
        position_emb = jnp.take(brother_table, idx, axis=0)
    # dropout p=0.0 -> identity
    position_emb = position_emb.reshape(batch_size, max_size, max_size, 2, D_MODEL)
    k_emb = position_emb[:, :, :, 0, :]
    v_emb = position_emb[:, :, :, 1, :]
    return (k_emb, v_emb)

if __name__ == "__main__":
    import jax
    _d = setup_inputs()
    print(jax.jit(kernel)(*tuple(_d.values())))

</pallas_src>

<mosaic_0001>
#map = affine_map<(d0, d1) -> (0, 0, 0)>
#map1 = affine_map<(d0, d1) -> (0, 0)>
#map2 = affine_map<(d0, d1) -> (0, 0, 0, 0)>
module attributes {stable_mosaic.version = 14 : i64} {
  func.func @sc_k_kernel(%arg0: i32, %arg1: i32, %arg2: memref<4x200x200xi32, #tpu.memory_space<hbm>>, %arg3: memref<66x128xf32, #tpu.memory_space<hbm>>, %arg4: memref<4x200x64x200xf32, #tpu.memory_space<hbm>>, %arg5: memref<66x128xf32, #tpu.memory_space<vmem>>, %arg6: memref<4224xf32, #tpu.memory_space<vmem>>, %arg7: memref<4x200xi32, #tpu.memory_space<vmem>>, %arg8: memref<256x200xf32, #tpu.memory_space<vmem>>, %arg9: memref<4x!tpu.dma_semaphore, #tpu.memory_space<semaphore_mem>>, %arg10: memref<4x!tpu.dma_semaphore, #tpu.memory_space<semaphore_mem>>) attributes {dimension_semantics = [#tpu.dimension_semantics<core_parallel>, #tpu.dimension_semantics<subcore_parallel>], iteration_bounds = array<i64: 2, 16>, scalar_prefetch = 0 : i64, scratch_operands = 6 : i64, tpu.core_type = #tpu.core_type<sc_vector_subcore>, window_params = [{transform_indices = #map}, {transform_indices = #map1}, {transform_indices = #map2}]} {
    %mul3A = arith.constant 2 : i32
    %mul3A_0 = arith.muli %arg1, %mul3A : i32
    %add3A = arith.addi %mul3A_0, %arg0 : i32
    %mul3A_1 = arith.constant 25 : i32
    %mul3A_2 = arith.muli %add3A, %mul3A_1 : i32
    "tpu.region"() ({
      %run_scoped3A = tpu.sem_alloc : memref<!tpu.dma_semaphore, #tpu.memory_space<semaphore_mem>>
      tpu.enqueue_dma source(%arg3 : memref<66x128xf32, #tpu.memory_space<hbm>>) target(%arg5 : memref<66x128xf32, #tpu.memory_space<vmem>>) target_semaphore(%run_scoped3A : memref<!tpu.dma_semaphore, #tpu.memory_space<semaphore_mem>>)
      tpu.wait_dma2 semaphore(%run_scoped3A : memref<!tpu.dma_semaphore, #tpu.memory_space<semaphore_mem>>) src(%arg3 : memref<66x128xf32, #tpu.memory_space<hbm>>) dst(%arg5 : memref<66x128xf32, #tpu.memory_space<vmem>>)
      tpu.yield
    }) : () -> ()
    %jit3A = arith.constant 200 : i32
    %div3A = arith.divsi %mul3A_2, %jit3A : i32
    %sign3A = arith.constant 0 : i32
    %sign3A_3 = arith.cmpi sgt, %mul3A_2, %sign3A : i32
    %sign3A_4 = arith.extui %sign3A_3 : i1 to i32
    %sign3A_5 = arith.constant 0 : i32
    %sign3A_6 = arith.cmpi slt, %mul3A_2, %sign3A_5 : i32
    %sign3A_7 = arith.extui %sign3A_6 : i1 to i32
    %sign3A_8 = arith.subi %sign3A_4, %sign3A_7 : i32
    %sign3A_9 = arith.constant 0 : i32
    %sign3A_10 = arith.cmpi sgt, %jit3A, %sign3A_9 : i32
    %sign3A_11 = arith.extui %sign3A_10 : i1 to i32
    %sign3A_12 = arith.constant 0 : i32
    %sign3A_13 = arith.cmpi slt, %jit3A, %sign3A_12 : i32
    %sign3A_14 = arith.extui %sign3A_13 : i1 to i32
    %sign3A_15 = arith.subi %sign3A_11, %sign3A_14 : i32
    %ne3A = arith.cmpi ne, %sign3A_8, %sign3A_15 : i32
    %rem3A = arith.remsi %mul3A_2, %jit3A : i32
    %ne3A_16 = arith.constant 0 : i32
    %ne3A_17 = arith.cmpi ne, %rem3A, %ne3A_16 : i32
    %and3A = arith.andi %ne3A, %ne3A_17 : i1
    %sub3A = arith.constant 1 : i32
    %sub3A_18 = arith.subi %div3A, %sub3A : i32
    %select_n3A = arith.select %and3A, %sub3A_18, %div3A : i32
    %jit3A_19 = arith.constant 200 : i32
    %eq3A = arith.constant 0 : i32
    %eq3A_20 = arith.cmpi eq, %jit3A_19, %eq3A : i32
    %jit3A_21 = arith.constant 1 : i32
    %select_n3A_22 = arith.select %eq3A_20, %jit3A_21, %jit3A_19 : i32
    %rem3A_23 = arith.remsi %mul3A_2, %select_n3A_22 : i32
    %ne3A_24 = arith.constant 0 : i32
    %ne3A_25 = arith.cmpi ne, %rem3A_23, %ne3A_24 : i32
    %lt3A = arith.constant 0 : i32
    %lt3A_26 = arith.cmpi slt, %rem3A_23, %lt3A : i32
    %lt3A_27 = arith.constant 0 : i32
    %lt3A_28 = arith.cmpi slt, %select_n3A_22, %lt3A_27 : i32
    %ne3A_29 = arith.xori %lt3A_26, %lt3A_28 : i1
    %and3A_30 = arith.andi %ne3A_29, %ne3A_25 : i1
    %add3A_31 = arith.addi %rem3A_23, %select_n3A_22 : i32
    %select_n3A_32 = arith.select %and3A_30, %add3A_31, %rem3A_23 : i32
    %dma_start3A = arith.constant 0 : i32
    %dma_start3A_33 = arith.constant 0 : i32
    %dma_start3A_34 = arith.constant 0 : i32
    %dma_start3A_35 = tpu.memref_slice %arg7[%dma_start3A, %dma_start3A_34] : memref<4x200xi32, #tpu.memory_space<vmem>> -> memref<1x200xi32, #tpu.memory_space<vmem>>
    %dma_start3A_36 = tpu.memref_squeeze %dma_start3A_35 : memref<1x200xi32, #tpu.memory_space<vmem>> -> memref<200xi32, #tpu.memory_space<vmem>>
    %dma_start3A_37 = arith.constant 0 : i32
    %dma_start3A_38 = tpu.memref_slice %arg2[%select_n3A, %select_n3A_32, %dma_start3A_37] : memref<4x200x200xi32, #tpu.memory_space<hbm>> -> memref<1x1x200xi32, #tpu.memory_space<hbm>>
    %dma_start3A_39 = tpu.memref_squeeze %dma_start3A_38 : memref<1x1x200xi32, #tpu.memory_space<hbm>> -> memref<200xi32, #tpu.memory_space<hbm>>
    %dma_start3A_40 = tpu.memref_slice %arg9[%dma_start3A_33] : memref<4x!tpu.dma_semaphore, #tpu.memory_space<semaphore_mem>> -> memref<1x!tpu.dma_semaphore, #tpu.memory_space<semaphore_mem>>
    %dma_start3A_41 = tpu.memref_squeeze %dma_start3A_40 : memref<1x!tpu.dma_semaphore, #tpu.memory_space<semaphore_mem>> -> memref<!tpu.dma_semaphore, #tpu.memory_space<semaphore_mem>>
    %dma_start3A_42 = arith.constant 0 : i32
    %dma_start3A_43 = tpu.memref_slice %arg7[%dma_start3A, %dma_start3A_42] : memref<4x200xi32, #tpu.memory_space<vmem>> -> memref<1x200xi32, #tpu.memory_space<vmem>>
    %dma_start3A_44 = tpu.memref_squeeze %dma_start3A_43 : memref<1x200xi32, #tpu.memory_space<vmem>> -> memref<200xi32, #tpu.memory_space<vmem>>
    %dma_start3A_45 = arith.constant 0 : i32
    %dma_start3A_46 = tpu.memref_slice %arg2[%select_n3A, %select_n3A_32, %dma_start3A_45] : memref<4x200x200xi32, #tpu.memory_space<hbm>> -> memref<1x1x200xi32, #tpu.memory_space<hbm>>
    %dma_start3A_47 = tpu.memref_squeeze %dma_start3A_46 : memref<1x1x200xi32, #tpu.memory_space<hbm>> -> memref<200xi32, #tpu.memory_space<hbm>>
    tpu.enqueue_dma source(%dma_start3A_47 : memref<200xi32, #tpu.memory_space<hbm>>) target(%dma_start3A_44 : memref<200xi32, #tpu.memory_space<vmem>>) target_semaphore(%dma_start3A_41 : memref<!tpu.dma_semaphore, #tpu.memory_space<semaphore_mem>>)
    %add3A_48 = arith.constant 1 : i32
    %add3A_49 = arith.addi %mul3A_2, %add3A_48 : i32
    %jit3A_50 = arith.constant 200 : i32
    %div3A_51 = arith.divsi %add3A_49, %jit3A_50 : i32
    %sign3A_52 = arith.constant 0 : i32
    %sign3A_53 = arith.cmpi sgt, %add3A_49, %sign3A_52 : i32
    %sign3A_54 = arith.extui %sign3A_53 : i1 to i32
    %sign3A_55 = arith.constant 0 : i32
    %sign3A_56 = arith.cmpi slt, %add3A_49, %sign3A_55 : i32
    %sign3A_57 = arith.extui %sign3A_56 : i1 to i32
    %sign3A_58 = arith.subi %sign3A_54, %sign3A_57 : i32
    %sign3A_59 = arith.constant 0 : i32
    %sign3A_60 = arith.cmpi sgt, %jit3A_50, %sign3A_59 : i32
    %sign3A_61 = arith.extui %sign3A_60 : i1 to i32
    %sign3A_62 = arith.constant 0 : i32
    %sign3A_63 = arith.cmpi slt, %jit3A_50, %sign3A_62 : i32
    %sign3A_64 = arith.extui %sign3A_63 : i1 to i32
    %sign3A_65 = arith.subi %sign3A_61, %sign3A_64 : i32
    %ne3A_66 = arith.cmpi ne, %sign3A_58, %sign3A_65 : i32
    %rem3A_67 = arith.remsi %add3A_49, %jit3A_50 : i32
    %ne3A_68 = arith.constant 0 : i32
    %ne3A_69 = arith.cmpi ne, %rem3A_67, %ne3A_68 : i32
    %and3A_70 = arith.andi %ne3A_66, %ne3A_69 : i1
    %sub3A_71 = arith.constant 1 : i32
    %sub3A_72 = arith.subi %div3A_51, %sub3A_71 : i32
    %select_n3A_73 = arith.select %and3A_70, %sub3A_72, %div3A_51 : i32
    %jit3A_74 = arith.constant 200 : i32
    %eq3A_75 = arith.constant 0 : i32
    %eq3A_76 = arith.cmpi eq, %jit3A_74, %eq3A_75 : i32
    %jit3A_77 = arith.constant 1 : i32
    %select_n3A_78 = arith.select %eq3A_76, %jit3A_77, %jit3A_74 : i32
    %rem3A_79 = arith.remsi %add3A_49, %select_n3A_78 : i32
    %ne3A_80 = arith.constant 0 : i32
    %ne3A_81 = arith.cmpi ne, %rem3A_79, %ne3A_80 : i32
    %lt3A_82 = arith.constant 0 : i32
    %lt3A_83 = arith.cmpi slt, %rem3A_79, %lt3A_82 : i32
    %lt3A_84 = arith.constant 0 : i32
    %lt3A_85 = arith.cmpi slt, %select_n3A_78, %lt3A_84 : i32
    %ne3A_86 = arith.xori %lt3A_83, %lt3A_85 : i1
    %and3A_87 = arith.andi %ne3A_86, %ne3A_81 : i1
    %add3A_88 = arith.addi %rem3A_79, %select_n3A_78 : i32
    %select_n3A_89 = arith.select %and3A_87, %add3A_88, %rem3A_79 : i32
    %dma_start3A_90 = arith.constant 1 : i32
    %dma_start3A_91 = arith.constant 1 : i32
    %dma_start3A_92 = arith.constant 0 : i32
    %dma_start3A_93 = tpu.memref_slice %arg7[%dma_start3A_90, %dma_start3A_92] : memref<4x200xi32, #tpu.memory_space<vmem>> -> memref<1x200xi32, #tpu.memory_space<vmem>>
    %dma_start3A_94 = tpu.memref_squeeze %dma_start3A_93 : memref<1x200xi32, #tpu.memory_space<vmem>> -> memref<200xi32, #tpu.memory_space<vmem>>
    %dma_start3A_95 = arith.constant 0 : i32
    %dma_start3A_96 = tpu.memref_slice %arg2[%select_n3A_73, %select_n3A_89, %dma_start3A_95] : memref<4x200x200xi32, #tpu.memory_space<hbm>> -> memref<1x1x200xi32, #tpu.memory_space<hbm>>
    %dma_start3A_97 = tpu.memref_squeeze %dma_start3A_96 : memref<1x1x200xi32, #tpu.memory_space<hbm>> -> memref<200xi32, #tpu.memory_space<hbm>>
    %dma_start3A_98 = tpu.memref_slice %arg9[%dma_start3A_91] : memref<4x!tpu.dma_semaphore, #tpu.memory_space<semaphore_mem>> -> memref<1x!tpu.dma_semaphore, #tpu.memory_space<semaphore_mem>>
    %dma_start3A_99 = tpu.memref_squeeze %dma_start3A_98 : memref<1x!tpu.dma_semaphore, #tpu.memory_space<semaphore_mem>> -> memref<!tpu.dma_semaphore, #tpu.memory_space<semaphore_mem>>
    %dma_start3A_100 = arith.constant 0 : i32
    %dma_start3A_101 = tpu.memref_slice %arg7[%dma_start3A_90, %dma_start3A_100] : memref<4x200xi32, #tpu.memory_space<vmem>> -> memref<1x200xi32, #tpu.memory_space<vmem>>
    %dma_start3A_102 = tpu.memref_squeeze %dma_start3A_101 : memref<1x200xi32, #tpu.memory_space<vmem>> -> memref<200xi32, #tpu.memory_space<vmem>>
    %dma_start3A_103 = arith.constant 0 : i32
    %dma_start3A_104 = tpu.memref_slice %arg2[%select_n3A_73, %select_n3A_89, %dma_start3A_103] : memref<4x200x200xi32, #tpu.memory_space<hbm>> -> memref<1x1x200xi32, #tpu.memory_space<hbm>>
    %dma_start3A_105 = tpu.memref_squeeze %dma_start3A_104 : memref<1x1x200xi32, #tpu.memory_space<hbm>> -> memref<200xi32, #tpu.memory_space<hbm>>
    tpu.enqueue_dma source(%dma_start3A_105 : memref<200xi32, #tpu.memory_space<hbm>>) target(%dma_start3A_102 : memref<200xi32, #tpu.memory_space<vmem>>) target_semaphore(%dma_start3A_99 : memref<!tpu.dma_semaphore, #tpu.memory_space<semaphore_mem>>)
    %iota3A = tpu.iota {dimensions = array<i32: 0>} : vector<16xi32>
    %add3A_106 = arith.constant 0 : i32
    %add3A_107 = vector.broadcast %add3A_106 : i32 to vector<16xi32>
    %add3A_108 = arith.addi %iota3A, %add3A_107 : vector<16xi32>
    %add3A_109 = arith.constant 16 : i32
    %add3A_110 = vector.broadcast %add3A_109 : i32 to vector<16xi32>
    %add3A_111 = arith.addi %iota3A, %add3A_110 : vector<16xi32>
    %add3A_112 = arith.constant 32 : i32
    %add3A_113 = vector.broadcast %add3A_112 : i32 to vector<16xi32>
    %add3A_114 = arith.addi %iota3A, %add3A_113 : vector<16xi32>
    %add3A_115 = arith.constant 48 : i32
    %add3A_116 = vector.broadcast %add3A_115 : i32 to vector<16xi32>
    %add3A_117 = arith.addi %iota3A, %add3A_116 : vector<16xi32>
    %add3A_118 = arith.constant 50 : i32
    %add3A_119 = vector.broadcast %add3A_118 : i32 to vector<16xi32>
    %add3A_120 = arith.addi %iota3A, %add3A_119 : vector<16xi32>
    %scan3A = arith.constant 0 : i32
    %scan3A_121 = arith.constant 0 : i32
    %scan3A_122 = arith.constant 64 : i32
    %scan3A_123 = arith.addi %scan3A_121, %scan3A_122 : i32
    %scan3A_124 = arith.constant 2 : i32
    scf.for %scan3A_367 = %scan3A_121 to %scan3A_123 step %scan3A_124  : i32 {
      %broadcast_in_dim3A = vector.broadcast %scan3A_367 : i32 to vector<16xi32>
      %gather3A = tpu.vector_load_idx %arg5[%add3A_108, %broadcast_in_dim3A] : memref<66x128xf32, #tpu.memory_space<vmem>>[vector<16xi32>, vector<16xi32>], vector<16xf32>,
      %mul3A_368 = arith.constant 66 : i32
      %mul3A_369 = arith.muli %scan3A_367, %mul3A_368 : i32
      %add3A_370 = arith.constant 0 : i32
      %add3A_371 = arith.addi %mul3A_369, %add3A_370 : i32
      %swap3A = arith.index_cast %add3A_371 : i32 to index
      %swap3A_372 = tpu.vector_load %arg6[%swap3A] {strides = array<i32>} : memref<4224xf32, #tpu.memory_space<vmem>>, vector<16xf32>,
      tpu.vector_store %arg6[%swap3A], %gather3A {strides = array<i32>} : memref<4224xf32, #tpu.memory_space<vmem>>, vector<16xf32>,
      %broadcast_in_dim3A_373 = vector.broadcast %scan3A_367 : i32 to vector<16xi32>
      %gather3A_374 = tpu.vector_load_idx %arg5[%add3A_111, %broadcast_in_dim3A_373] : memref<66x128xf32, #tpu.memory_space<vmem>>[vector<16xi32>, vector<16xi32>], vector<16xf32>,
      %mul3A_375 = arith.constant 66 : i32
      %mul3A_376 = arith.muli %scan3A_367, %mul3A_375 : i32
      %add3A_377 = arith.constant 16 : i32
      %add3A_378 = arith.addi %mul3A_376, %add3A_377 : i32
      %swap3A_379 = arith.index_cast %add3A_378 : i32 to index
      %swap3A_380 = tpu.vector_load %arg6[%swap3A_379] {strides = array<i32>} : memref<4224xf32, #tpu.memory_space<vmem>>, vector<16xf32>,
      tpu.vector_store %arg6[%swap3A_379], %gather3A_374 {strides = array<i32>} : memref<4224xf32, #tpu.memory_space<vmem>>, vector<16xf32>,
      %broadcast_in_dim3A_381 = vector.broadcast %scan3A_367 : i32 to vector<16xi32>
      %gather3A_382 = tpu.vector_load_idx %arg5[%add3A_114, %broadcast_in_dim3A_381] : memref<66x128xf32, #tpu.memory_space<vmem>>[vector<16xi32>, vector<16xi32>], vector<16xf32>,
      %mul3A_383 = arith.constant 66 : i32
      %mul3A_384 = arith.muli %scan3A_367, %mul3A_383 : i32
      %add3A_385 = arith.constant 32 : i32
      %add3A_386 = arith.addi %mul3A_384, %add3A_385 : i32
      %swap3A_387 = arith.index_cast %add3A_386 : i32 to index
      %swap3A_388 = tpu.vector_load %arg6[%swap3A_387] {strides = array<i32>} : memref<4224xf32, #tpu.memory_space<vmem>>, vector<16xf32>,
      tpu.vector_store %arg6[%swap3A_387], %gather3A_382 {strides = array<i32>} : memref<4224xf32, #tpu.memory_space<vmem>>, vector<16xf32>,
      %broadcast_in_dim3A_389 = vector.broadcast %scan3A_367 : i32 to vector<16xi32>
      %gather3A_390 = tpu.vector_load_idx %arg5[%add3A_117, %broadcast_in_dim3A_389] : memref<66x128xf32, #tpu.memory_space<vmem>>[vector<16xi32>, vector<16xi32>], vector<16xf32>,
      %mul3A_391 = arith.constant 66 : i32
      %mul3A_392 = arith.muli %scan3A_367, %mul3A_391 : i32
      %add3A_393 = arith.constant 48 : i32
      %add3A_394 = arith.addi %mul3A_392, %add3A_393 : i32
      %swap3A_395 = arith.index_cast %add3A_394 : i32 to index
      %swap3A_396 = tpu.vector_load %arg6[%swap3A_395] {strides = array<i32>} : memref<4224xf32, #tpu.memory_space<vmem>>, vector<16xf32>,
      tpu.vector_store %arg6[%swap3A_395], %gather3A_390 {strides = array<i32>} : memref<4224xf32, #tpu.memory_space<vmem>>, vector<16xf32>,
      %broadcast_in_dim3A_397 = vector.broadcast %scan3A_367 : i32 to vector<16xi32>
      %gather3A_398 = tpu.vector_load_idx %arg5[%add3A_120, %broadcast_in_dim3A_397] : memref<66x128xf32, #tpu.memory_space<vmem>>[vector<16xi32>, vector<16xi32>], vector<16xf32>,
      %mul3A_399 = arith.constant 66 : i32
      %mul3A_400 = arith.muli %scan3A_367, %mul3A_399 : i32
      %add3A_401 = arith.constant 50 : i32
      %add3A_402 = arith.addi %mul3A_400, %add3A_401 : i32
      %swap3A_403 = arith.index_cast %add3A_402 : i32 to index
      %swap3A_404 = tpu.vector_load %arg6[%swap3A_403] {strides = array<i32>} : memref<4224xf32, #tpu.memory_space<vmem>>, vector<16xf32>,
      tpu.vector_store %arg6[%swap3A_403], %gather3A_398 {strides = array<i32>} : memref<4224xf32, #tpu.memory_space<vmem>>, vector<16xf32>,
      %scan3A_405 = arith.constant 1 : i32
      %scan3A_406 = arith.addi %scan3A_367, %scan3A_405 : i32
      %broadcast_in_dim3A_407 = vector.broadcast %scan3A_406 : i32 to vector<16xi32>
      %gather3A_408 = tpu.vector_load_idx %arg5[%add3A_108, %broadcast_in_dim3A_407] : memref<66x128xf32, #tpu.memory_space<vmem>>[vector<16xi32>, vector<16xi32>], vector<16xf32>,
      %mul3A_409 = arith.constant 66 : i32
      %mul3A_410 = arith.muli %scan3A_406, %mul3A_409 : i32
      %add3A_411 = arith.constant 0 : i32
      %add3A_412 = arith.addi %mul3A_410, %add3A_411 : i32
      %swap3A_413 = arith.index_cast %add3A_412 : i32 to index
      %swap3A_414 = tpu.vector_load %arg6[%swap3A_413] {strides = array<i32>} : memref<4224xf32, #tpu.memory_space<vmem>>, vector<16xf32>,
      tpu.vector_store %arg6[%swap3A_413], %gather3A_408 {strides = array<i32>} : memref<4224xf32, #tpu.memory_space<vmem>>, vector<16xf32>,
      %broadcast_in_dim3A_415 = vector.broadcast %scan3A_406 : i32 to vector<16xi32>
      %gather3A_416 = tpu.vector_load_idx %arg5[%add3A_111, %broadcast_in_dim3A_415] : memref<66x128xf32, #tpu.memory_space<vmem>>[vector<16xi32>, vector<16xi32>], vector<16xf32>,
      %mul3A_417 = arith.constant 66 : i32
      %mul3A_418 = arith.muli %scan3A_406, %mul3A_417 : i32
      %add3A_419 = arith.constant 16 : i32
      %add3A_420 = arith.addi %mul3A_418, %add3A_419 : i32
      %swap3A_421 = arith.index_cast %add3A_420 : i32 to index
      %swap3A_422 = tpu.vector_load %arg6[%swap3A_421] {strides = array<i32>} : memref<4224xf32, #tpu.memory_space<vmem>>, vector<16xf32>,
      tpu.vector_store %arg6[%swap3A_421], %gather3A_416 {strides = array<i32>} : memref<4224xf32, #tpu.memory_space<vmem>>, vector<16xf32>,
      %broadcast_in_dim3A_423 = vector.broadcast %scan3A_406 : i32 to vector<16xi32>
      %gather3A_424 = tpu.vector_load_idx %arg5[%add3A_114, %broadcast_in_dim3A_423] : memref<66x128xf32, #tpu.memory_space<vmem>>[vector<16xi32>, vector<16xi32>], vector<16xf32>,
      %mul3A_425 = arith.constant 66 : i32
      %mul3A_426 = arith.muli %scan3A_406, %mul3A_425 : i32
      %add3A_427 = arith.constant 32 : i32
      %add3A_428 = arith.addi %mul3A_426, %add3A_427 : i32
      %swap3A_429 = arith.index_cast %add3A_428 : i32 to index
      %swap3A_430 = tpu.vector_load %arg6[%swap3A_429] {strides = array<i32>} : memref<4224xf32, #tpu.memory_space<vmem>>, vector<16xf32>,
      tpu.vector_store %arg6[%swap3A_429], %gather3A_424 {strides = array<i32>} : memref<4224xf32, #tpu.memory_space<vmem>>, vector<16xf32>,
      %broadcast_in_dim3A_431 = vector.broadcast %scan3A_406 : i32 to vector<16xi32>
      %gather3A_432 = tpu.vector_load_idx %arg5[%add3A_117, %broadcast_in_dim3A_431] : memref<66x128xf32, #tpu.memory_space<vmem>>[vector<16xi32>, vector<16xi32>], vector<16xf32>,
      %mul3A_433 = arith.constant 66 : i32
      %mul3A_434 = arith.muli %scan3A_406, %mul3A_433 : i32
      %add3A_435 = arith.constant 48 : i32
      %add3A_436 = arith.addi %mul3A_434, %add3A_435 : i32
      %swap3A_437 = arith.index_cast %add3A_436 : i32 to index
      %swap3A_438 = tpu.vector_load %arg6[%swap3A_437] {strides = array<i32>} : memref<4224xf32, #tpu.memory_space<vmem>>, vector<16xf32>,
      tpu.vector_store %arg6[%swap3A_437], %gather3A_432 {strides = array<i32>} : memref<4224xf32, #tpu.memory_space<vmem>>, vector<16xf32>,
      %broadcast_in_dim3A_439 = vector.broadcast %scan3A_406 : i32 to vector<16xi32>
      %gather3A_440 = tpu.vector_load_idx %arg5[%add3A_120, %broadcast_in_dim3A_439] : memref<66x128xf32, #tpu.memory_space<vmem>>[vector<16xi32>, vector<16xi32>], vector<16xf32>,
      %mul3A_441 = arith.constant 66 : i32
      %mul3A_442 = arith.muli %scan3A_406, %mul3A_441 : i32
      %add3A_443 = arith.constant 50 : i32
      %add3A_444 = arith.addi %mul3A_442, %add3A_443 : i32
      %swap3A_445 = arith.index_cast %add3A_444 : i32 to index
      %swap3A_446 = tpu.vector_load %arg6[%swap3A_445] {strides = array<i32>} : memref<4224xf32, #tpu.memory_space<vmem>>, vector<16xf32>,
      tpu.vector_store %arg6[%swap3A_445], %gather3A_440 {strides = array<i32>} : memref<4224xf32, #tpu.memory_space<vmem>>, vector<16xf32>,
    }
    %scan3A_125 = arith.constant 64 : i32
    %scan3A_126 = arith.constant 0 : i32
    %scan3A_127 = arith.constant 0 : i32
    %scan3A_128 = arith.constant 25 : i32
    %scan3A_129 = arith.addi %scan3A_127, %scan3A_128 : i32
    %scan3A_130 = arith.constant 1 : i32
    scf.for %scan3A_367 = %scan3A_127 to %scan3A_129 step %scan3A_130  : i32 {
      %jit3A_368 = arith.constant 4 : i32
      %eq3A_369 = arith.constant 0 : i32
      %eq3A_370 = arith.cmpi eq, %jit3A_368, %eq3A_369 : i32
      %jit3A_371 = arith.constant 1 : i32
      %select_n3A_372 = arith.select %eq3A_370, %jit3A_371, %jit3A_368 : i32
      %rem3A_373 = arith.remsi %scan3A_367, %select_n3A_372 : i32
      %ne3A_374 = arith.constant 0 : i32
      %ne3A_375 = arith.cmpi ne, %rem3A_373, %ne3A_374 : i32
      %lt3A_376 = arith.constant 0 : i32
      %lt3A_377 = arith.cmpi slt, %rem3A_373, %lt3A_376 : i32
      %lt3A_378 = arith.constant 0 : i32
      %lt3A_379 = arith.cmpi slt, %select_n3A_372, %lt3A_378 : i32
      %ne3A_380 = arith.xori %lt3A_377, %lt3A_379 : i1
      %and3A_381 = arith.andi %ne3A_380, %ne3A_375 : i1
      %add3A_382 = arith.addi %rem3A_373, %select_n3A_372 : i32
      %select_n3A_383 = arith.select %and3A_381, %add3A_382, %rem3A_373 : i32
      %add3A_384 = arith.addi %mul3A_2, %scan3A_367 : i32
      %jit3A_385 = arith.constant 200 : i32
      %div3A_386 = arith.divsi %add3A_384, %jit3A_385 : i32
      %sign3A_387 = arith.constant 0 : i32
      %sign3A_388 = arith.cmpi sgt, %add3A_384, %sign3A_387 : i32
      %sign3A_389 = arith.extui %sign3A_388 : i1 to i32
      %sign3A_390 = arith.constant 0 : i32
      %sign3A_391 = arith.cmpi slt, %add3A_384, %sign3A_390 : i32
      %sign3A_392 = arith.extui %sign3A_391 : i1 to i32
      %sign3A_393 = arith.subi %sign3A_389, %sign3A_392 : i32
      %sign3A_394 = arith.constant 0 : i32
      %sign3A_395 = arith.cmpi sgt, %jit3A_385, %sign3A_394 : i32
      %sign3A_396 = arith.extui %sign3A_395 : i1 to i32
      %sign3A_397 = arith.constant 0 : i32
      %sign3A_398 = arith.cmpi slt, %jit3A_385, %sign3A_397 : i32
      %sign3A_399 = arith.extui %sign3A_398 : i1 to i32
      %sign3A_400 = arith.subi %sign3A_396, %sign3A_399 : i32
      %ne3A_401 = arith.cmpi ne, %sign3A_393, %sign3A_400 : i32
      %rem3A_402 = arith.remsi %add3A_384, %jit3A_385 : i32
      %ne3A_403 = arith.constant 0 : i32
      %ne3A_404 = arith.cmpi ne, %rem3A_402, %ne3A_403 : i32
      %and3A_405 = arith.andi %ne3A_401, %ne3A_404 : i1
      %sub3A_406 = arith.constant 1 : i32
      %sub3A_407 = arith.subi %div3A_386, %sub3A_406 : i32
      %select_n3A_408 = arith.select %and3A_405, %sub3A_407, %div3A_386 : i32
      %jit3A_409 = arith.constant 200 : i32
      %eq3A_410 = arith.constant 0 : i32
      %eq3A_411 = arith.cmpi eq, %jit3A_409, %eq3A_410 : i32
      %jit3A_412 = arith.constant 1 : i32
      %select_n3A_413 = arith.select %eq3A_411, %jit3A_412, %jit3A_409 : i32
      %rem3A_414 = arith.remsi %add3A_384, %select_n3A_413 : i32
      %ne3A_415 = arith.constant 0 : i32
      %ne3A_416 = arith.cmpi ne, %rem3A_414, %ne3A_415 : i32
      %lt3A_417 = arith.constant 0 : i32
      %lt3A_418 = arith.cmpi slt, %rem3A_414, %lt3A_417 : i32
      %lt3A_419 = arith.constant 0 : i32
      %lt3A_420 = arith.cmpi slt, %select_n3A_413, %lt3A_419 : i32
      %ne3A_421 = arith.xori %lt3A_418, %lt3A_420 : i1
      %and3A_422 = arith.andi %ne3A_421, %ne3A_416 : i1
      %add3A_423 = arith.addi %rem3A_414, %select_n3A_413 : i32
      %select_n3A_424 = arith.select %and3A_422, %add3A_423, %rem3A_414 : i32
      %mul3A_425 = arith.constant 64 : i32
      %mul3A_426 = arith.muli %select_n3A_383, %mul3A_425 : i32
      %ge3A = arith.constant 4 : i32
      %ge3A_427 = arith.cmpi sge, %scan3A_367, %ge3A : i32
      %convert_element_type3A = arith.extui %ge3A_427 : i1 to i32
      %cond3A = arith.constant 0 : i32
      %cond3A_428 = arith.cmpi ne, %convert_element_type3A, %cond3A : i32
      scf.if %cond3A_428 {
        %dma_wait3A_508 = arith.constant 0 : i32
        %dma_wait3A_509 = tpu.memref_slice %arg8[%mul3A_426, %dma_wait3A_508] : memref<256x200xf32, #tpu.memory_space<vmem>> -> memref<64x200xf32, #tpu.memory_space<vmem>>
        %dma_wait3A_510 = arith.constant 0 : i32
        %dma_wait3A_511 = arith.constant 0 : i32
        %dma_wait3A_512 = tpu.memref_slice %arg4[%select_n3A_408, %select_n3A_424, %dma_wait3A_510, %dma_wait3A_511] : memref<4x200x64x200xf32, #tpu.memory_space<hbm>> -> memref<1x1x64x200xf32, #tpu.memory_space<hbm>>
        %dma_wait3A_513 = tpu.memref_squeeze %dma_wait3A_512 : memref<1x1x64x200xf32, #tpu.memory_space<hbm>> -> memref<64x200xf32, #tpu.memory_space<hbm>>
        %dma_wait3A_514 = tpu.memref_slice %arg10[%select_n3A_383] : memref<4x!tpu.dma_semaphore, #tpu.memory_space<semaphore_mem>> -> memref<1x!tpu.dma_semaphore, #tpu.memory_space<semaphore_mem>>
        %dma_wait3A_515 = tpu.memref_squeeze %dma_wait3A_514 : memref<1x!tpu.dma_semaphore, #tpu.memory_space<semaphore_mem>> -> memref<!tpu.dma_semaphore, #tpu.memory_space<semaphore_mem>>
        %dma_wait3A_516 = arith.constant 0 : i32
        %dma_wait3A_517 = arith.constant 0 : i32
        %dma_wait3A_518 = tpu.memref_slice %arg4[%select_n3A_408, %select_n3A_424, %dma_wait3A_516, %dma_wait3A_517] : memref<4x200x64x200xf32, #tpu.memory_space<hbm>> -> memref<1x1x64x200xf32, #tpu.memory_space<hbm>>
        %dma_wait3A_519 = tpu.memref_squeeze %dma_wait3A_518 : memref<1x1x64x200xf32, #tpu.memory_space<hbm>> -> memref<64x200xf32, #tpu.memory_space<hbm>>
        %dma_wait3A_520 = arith.constant 0 : i32
        %dma_wait3A_521 = tpu.memref_slice %arg8[%mul3A_426, %dma_wait3A_520] : memref<256x200xf32, #tpu.memory_space<vmem>> -> memref<64x200xf32, #tpu.memory_space<vmem>>
        tpu.wait_dma2 semaphore(%dma_wait3A_515 : memref<!tpu.dma_semaphore, #tpu.memory_space<semaphore_mem>>) src(%dma_wait3A_521 : memref<64x200xf32, #tpu.memory_space<vmem>>) dst(%dma_wait3A_519 : memref<64x200xf32, #tpu.memory_space<hbm>>)
      } else {
      }
      %dma_wait3A_429 = arith.constant 0 : i32
      %dma_wait3A_430 = tpu.memref_slice %arg7[%select_n3A_383, %dma_wait3A_429] : memref<4x200xi32, #tpu.memory_space<vmem>> -> memref<1x200xi32, #tpu.memory_space<vmem>>
      %dma_wait3A_431 = tpu.memref_squeeze %dma_wait3A_430 : memref<1x200xi32, #tpu.memory_space<vmem>> -> memref<200xi32, #tpu.memory_space<vmem>>
      %dma_wait3A_432 = arith.constant 0 : i32
      %dma_wait3A_433 = tpu.memref_slice %arg2[%select_n3A_408, %select_n3A_424, %dma_wait3A_432] : memref<4x200x200xi32, #tpu.memory_space<hbm>> -> memref<1x1x200xi32, #tpu.memory_space<hbm>>
      %dma_wait3A_434 = tpu.memref_squeeze %dma_wait3A_433 : memref<1x1x200xi32, #tpu.memory_space<hbm>> -> memref<200xi32, #tpu.memory_space<hbm>>
      %dma_wait3A_435 = tpu.memref_slice %arg9[%select_n3A_383] : memref<4x!tpu.dma_semaphore, #tpu.memory_space<semaphore_mem>> -> memref<1x!tpu.dma_semaphore, #tpu.memory_space<semaphore_mem>>
      %dma_wait3A_436 = tpu.memref_squeeze %dma_wait3A_435 : memref<1x!tpu.dma_semaphore, #tpu.memory_space<semaphore_mem>> -> memref<!tpu.dma_semaphore, #tpu.memory_space<semaphore_mem>>
      %dma_wait3A_437 = arith.constant 0 : i32
      %dma_wait3A_438 = tpu.memref_slice %arg7[%select_n3A_383, %dma_wait3A_437] : memref<4x200xi32, #tpu.memory_space<vmem>> -> memref<1x200xi32, #tpu.memory_space<vmem>>
      %dma_wait3A_439 = tpu.memref_squeeze %dma_wait3A_438 : memref<1x200xi32, #tpu.memory_space<vmem>> -> memref<200xi32, #tpu.memory_space<vmem>>
      %dma_wait3A_440 = arith.constant 0 : i32
      %dma_wait3A_441 = tpu.memref_slice %arg2[%select_n3A_408, %select_n3A_424, %dma_wait3A_440] : memref<4x200x200xi32, #tpu.memory_space<hbm>> -> memref<1x1x200xi32, #tpu.memory_space<hbm>>
      %dma_wait3A_442 = tpu.memref_squeeze %dma_wait3A_441 : memref<1x1x200xi32, #tpu.memory_space<hbm>> -> memref<200xi32, #tpu.memory_space<hbm>>
      tpu.wait_dma2 semaphore(%dma_wait3A_436 : memref<!tpu.dma_semaphore, #tpu.memory_space<semaphore_mem>>) src(%dma_wait3A_442 : memref<200xi32, #tpu.memory_space<hbm>>) dst(%dma_wait3A_439 : memref<200xi32, #tpu.memory_space<vmem>>)
      %get3A = arith.index_cast %select_n3A_383 : i32 to index
      %get3A_443 = arith.constant 0 : index
      %get3A_444 = tpu.vector_load %arg7[%get3A, %get3A_443] {strides = array<i32>} : memref<4x200xi32, #tpu.memory_space<vmem>>, vector<16xi32>,
      %get3A_445 = arith.index_cast %select_n3A_383 : i32 to index
      %get3A_446 = arith.constant 16 : index
      %get3A_447 = tpu.vector_load %arg7[%get3A_445, %get3A_446] {strides = array<i32>} : memref<4x200xi32, #tpu.memory_space<vmem>>, vector<16xi32>,
      %get3A_448 = arith.index_cast %select_n3A_383 : i32 to index
      %get3A_449 = arith.constant 32 : index
      %get3A_450 = tpu.vector_load %arg7[%get3A_448, %get3A_449] {strides = array<i32>} : memref<4x200xi32, #tpu.memory_space<vmem>>, vector<16xi32>,
      %get3A_451 = arith.index_cast %select_n3A_383 : i32 to index
      %get3A_452 = arith.constant 48 : index
      %get3A_453 = tpu.vector_load %arg7[%get3A_451, %get3A_452] {strides = array<i32>} : memref<4x200xi32, #tpu.memory_space<vmem>>, vector<16xi32>,
      %get3A_454 = arith.index_cast %select_n3A_383 : i32 to index
      %get3A_455 = arith.constant 64 : index
      %get3A_456 = tpu.vector_load %arg7[%get3A_454, %get3A_455] {strides = array<i32>} : memref<4x200xi32, #tpu.memory_space<vmem>>, vector<16xi32>,
      %get3A_457 = arith.index_cast %select_n3A_383 : i32 to index
      %get3A_458 = arith.constant 80 : index
      %get3A_459 = tpu.vector_load %arg7[%get3A_457, %get3A_458] {strides = array<i32>} : memref<4x200xi32, #tpu.memory_space<vmem>>, vector<16xi32>,
      %get3A_460 = arith.index_cast %select_n3A_383 : i32 to index
      %get3A_461 = arith.constant 96 : index
      %get3A_462 = tpu.vector_load %arg7[%get3A_460, %get3A_461] {strides = array<i32>} : memref<4x200xi32, #tpu.memory_space<vmem>>, vector<16xi32>,
      %get3A_463 = arith.index_cast %select_n3A_383 : i32 to index
      %get3A_464 = arith.constant 112 : index
      %get3A_465 = tpu.vector_load %arg7[%get3A_463, %get3A_464] {strides = array<i32>} : memref<4x200xi32, #tpu.memory_space<vmem>>, vector<16xi32>,
      %get3A_466 = arith.index_cast %select_n3A_383 : i32 to index
      %get3A_467 = arith.constant 128 : index
      %get3A_468 = tpu.vector_load %arg7[%get3A_466, %get3A_467] {strides = array<i32>} : memref<4x200xi32, #tpu.memory_space<vmem>>, vector<16xi32>,
      %get3A_469 = arith.index_cast %select_n3A_383 : i32 to index
      %get3A_470 = arith.constant 144 : index
      %get3A_471 = tpu.vector_load %arg7[%get3A_469, %get3A_470] {strides = array<i32>} : memref<4x200xi32, #tpu.memory_space<vmem>>, vector<16xi32>,
      %get3A_472 = arith.index_cast %select_n3A_383 : i32 to index
      %get3A_473 = arith.constant 160 : index
      %get3A_474 = tpu.vector_load %arg7[%get3A_472, %get3A_473] {strides = array<i32>} : memref<4x200xi32, #tpu.memory_space<vmem>>, vector<16xi32>,
      %get3A_475 = arith.index_cast %select_n3A_383 : i32 to index
      %get3A_476 = arith.constant 176 : index
      %get3A_477 = tpu.vector_load %arg7[%get3A_475, %get3A_476] {strides = array<i32>} : memref<4x200xi32, #tpu.memory_space<vmem>>, vector<16xi32>,
      %get3A_478 = arith.index_cast %select_n3A_383 : i32 to index
      %get3A_479 = arith.constant 184 : index
      %get3A_480 = tpu.vector_load %arg7[%get3A_478, %get3A_479] {strides = array<i32>} : memref<4x200xi32, #tpu.memory_space<vmem>>, vector<16xi32>,
      %scan3A_481 = arith.constant 0 : i32
      %scan3A_482 = arith.constant 64 : i32
      %scan3A_483 = arith.addi %scan3A_481, %scan3A_482 : i32
      %scan3A_484 = arith.constant 2 : i32
      %scan3A_485:13 = scf.for %scan3A_508 = %scan3A_481 to %scan3A_483 step %scan3A_484 iter_args(%scan3A_509 = %get3A_444, %scan3A_510 = %get3A_447, %scan3A_511 = %get3A_450, %scan3A_512 = %get3A_453, %scan3A_513 = %get3A_456, %scan3A_514 = %get3A_459, %scan3A_515 = %get3A_462, %scan3A_516 = %get3A_465, %scan3A_517 = %get3A_468, %scan3A_518 = %get3A_471, %scan3A_519 = %get3A_474, %scan3A_520 = %get3A_477, %scan3A_521 = %get3A_480) -> (vector<16xi32>, vector<16xi32>, vector<16xi32>, vector<16xi32>, vector<16xi32>, vector<16xi32>, vector<16xi32>, vector<16xi32>, vector<16xi32>, vector<16xi32>, vector<16xi32>, vector<16xi32>, vector<16xi32>)  : i32 {
        %mul3A_522 = arith.constant 64 : i32
        %mul3A_523 = arith.muli %select_n3A_383, %mul3A_522 : i32
        %add3A_524 = arith.addi %mul3A_523, %scan3A_508 : i32
        %gather3A = tpu.vector_load_idx %arg6[%scan3A_509] : memref<4224xf32, #tpu.memory_space<vmem>>[vector<16xi32>], vector<16xf32>,
        %gather3A_525 = tpu.vector_load_idx %arg6[%scan3A_510] : memref<4224xf32, #tpu.memory_space<vmem>>[vector<16xi32>], vector<16xf32>,
        %gather3A_526 = tpu.vector_load_idx %arg6[%scan3A_511] : memref<4224xf32, #tpu.memory_space<vmem>>[vector<16xi32>], vector<16xf32>,
        %gather3A_527 = tpu.vector_load_idx %arg6[%scan3A_512] : memref<4224xf32, #tpu.memory_space<vmem>>[vector<16xi32>], vector<16xf32>,
        %gather3A_528 = tpu.vector_load_idx %arg6[%scan3A_513] : memref<4224xf32, #tpu.memory_space<vmem>>[vector<16xi32>], vector<16xf32>,
        %swap3A = arith.index_cast %add3A_524 : i32 to index
        %swap3A_529 = arith.constant 0 : index
        %swap3A_530 = tpu.vector_load %arg8[%swap3A, %swap3A_529] {strides = array<i32>} : memref<256x200xf32, #tpu.memory_space<vmem>>, vector<16xf32>,
        tpu.vector_store %arg8[%swap3A, %swap3A_529], %gather3A {strides = array<i32>} : memref<256x200xf32, #tpu.memory_space<vmem>>, vector<16xf32>,
        %gather3A_531 = tpu.vector_load_idx %arg6[%scan3A_514] : memref<4224xf32, #tpu.memory_space<vmem>>[vector<16xi32>], vector<16xf32>,
        %swap3A_532 = arith.index_cast %add3A_524 : i32 to index
        %swap3A_533 = arith.constant 16 : index
        %swap3A_534 = tpu.vector_load %arg8[%swap3A_532, %swap3A_533] {strides = array<i32>} : memref<256x200xf32, #tpu.memory_space<vmem>>, vector<16xf32>,
        tpu.vector_store %arg8[%swap3A_532, %swap3A_533], %gather3A_525 {strides = array<i32>} : memref<256x200xf32, #tpu.memory_space<vmem>>, vector<16xf32>,
        %gather3A_535 = tpu.vector_load_idx %arg6[%scan3A_515] : memref<4224xf32, #tpu.memory_space<vmem>>[vector<16xi32>], vector<16xf32>,
        %swap3A_536 = arith.index_cast %add3A_524 : i32 to index
        %swap3A_537 = arith.constant 32 : index
        %swap3A_538 = tpu.vector_load %arg8[%swap3A_536, %swap3A_537] {strides = array<i32>} : memref<256x200xf32, #tpu.memory_space<vmem>>, vector<16xf32>,
        tpu.vector_store %arg8[%swap3A_536, %swap3A_537], %gather3A_526 {strides = array<i32>} : memref<256x200xf32, #tpu.memory_space<vmem>>, vector<16xf32>,
        %gather3A_539 = tpu.vector_load_idx %arg6[%scan3A_516] : memref<4224xf32, #tpu.memory_space<vmem>>[vector<16xi32>], vector<16xf32>,
        %swap3A_540 = arith.index_cast %add3A_524 : i32 to index
        %swap3A_541 = arith.constant 48 : index
        %swap3A_542 = tpu.vector_load %arg8[%swap3A_540, %swap3A_541] {strides = array<i32>} : memref<256x200xf32, #tpu.memory_space<vmem>>, vector<16xf32>,
        tpu.vector_store %arg8[%swap3A_540, %swap3A_541], %gather3A_527 {strides = array<i32>} : memref<256x200xf32, #tpu.memory_space<vmem>>, vector<16xf32>,
        %gather3A_543 = tpu.vector_load_idx %arg6[%scan3A_517] : memref<4224xf32, #tpu.memory_space<vmem>>[vector<16xi32>], vector<16xf32>,
        %swap3A_544 = arith.index_cast %add3A_524 : i32 to index
        %swap3A_545 = arith.constant 64 : index
        %swap3A_546 = tpu.vector_load %arg8[%swap3A_544, %swap3A_545] {strides = array<i32>} : memref<256x200xf32, #tpu.memory_space<vmem>>, vector<16xf32>,
        tpu.vector_store %arg8[%swap3A_544, %swap3A_545], %gather3A_528 {strides = array<i32>} : memref<256x200xf32, #tpu.memory_space<vmem>>, vector<16xf32>,
        %gather3A_547 = tpu.vector_load_idx %arg6[%scan3A_518] : memref<4224xf32, #tpu.memory_space<vmem>>[vector<16xi32>], vector<16xf32>,
        %swap3A_548 = arith.index_cast %add3A_524 : i32 to index
        %swap3A_549 = arith.constant 80 : index
        %swap3A_550 = tpu.vector_load %arg8[%swap3A_548, %swap3A_549] {strides = array<i32>} : memref<256x200xf32, #tpu.memory_space<vmem>>, vector<16xf32>,
        tpu.vector_store %arg8[%swap3A_548, %swap3A_549], %gather3A_531 {strides = array<i32>} : memref<256x200xf32, #tpu.memory_space<vmem>>, vector<16xf32>,
        %gather3A_551 = tpu.vector_load_idx %arg6[%scan3A_519] : memref<4224xf32, #tpu.memory_space<vmem>>[vector<16xi32>], vector<16xf32>,
        %swap3A_552 = arith.index_cast %add3A_524 : i32 to index
        %swap3A_553 = arith.constant 96 : index
        %swap3A_554 = tpu.vector_load %arg8[%swap3A_552, %swap3A_553] {strides = array<i32>} : memref<256x200xf32, #tpu.memory_space<vmem>>, vector<16xf32>,
        tpu.vector_store %arg8[%swap3A_552, %swap3A_553], %gather3A_535 {strides = array<i32>} : memref<256x200xf32, #tpu.memory_space<vmem>>, vector<16xf32>,
        %gather3A_555 = tpu.vector_load_idx %arg6[%scan3A_520] : memref<4224xf32, #tpu.memory_space<vmem>>[vector<16xi32>], vector<16xf32>,
        %swap3A_556 = arith.index_cast %add3A_524 : i32 to index
        %swap3A_557 = arith.constant 112 : index
        %swap3A_558 = tpu.vector_load %arg8[%swap3A_556, %swap3A_557] {strides = array<i32>} : memref<256x200xf32, #tpu.memory_space<vmem>>, vector<16xf32>,
        tpu.vector_store %arg8[%swap3A_556, %swap3A_557], %gather3A_539 {strides = array<i32>} : memref<256x200xf32, #tpu.memory_space<vmem>>, vector<16xf32>,
        %gather3A_559 = tpu.vector_load_idx %arg6[%scan3A_521] : memref<4224xf32, #tpu.memory_space<vmem>>[vector<16xi32>], vector<16xf32>,
        %swap3A_560 = arith.index_cast %add3A_524 : i32 to index
        %swap3A_561 = arith.constant 128 : index
        %swap3A_562 = tpu.vector_load %arg8[%swap3A_560, %swap3A_561] {strides = array<i32>} : memref<256x200xf32, #tpu.memory_space<vmem>>, vector<16xf32>,
        tpu.vector_store %arg8[%swap3A_560, %swap3A_561], %gather3A_543 {strides = array<i32>} : memref<256x200xf32, #tpu.memory_space<vmem>>, vector<16xf32>,
        %swap3A_563 = arith.index_cast %add3A_524 : i32 to index
        %swap3A_564 = arith.constant 144 : index
        %swap3A_565 = tpu.vector_load %arg8[%swap3A_563, %swap3A_564] {strides = array<i32>} : memref<256x200xf32, #tpu.memory_space<vmem>>, vector<16xf32>,
        tpu.vector_store %arg8[%swap3A_563, %swap3A_564], %gather3A_547 {strides = array<i32>} : memref<256x200xf32, #tpu.memory_space<vmem>>, vector<16xf32>,
        %swap3A_566 = arith.index_cast %add3A_524 : i32 to index
        %swap3A_567 = arith.constant 160 : index
        %swap3A_568 = tpu.vector_load %arg8[%swap3A_566, %swap3A_567] {strides = array<i32>} : memref<256x200xf32, #tpu.memory_space<vmem>>, vector<16xf32>,
        tpu.vector_store %arg8[%swap3A_566, %swap3A_567], %gather3A_551 {strides = array<i32>} : memref<256x200xf32, #tpu.memory_space<vmem>>, vector<16xf32>,
        %swap3A_569 = arith.index_cast %add3A_524 : i32 to index
        %swap3A_570 = arith.constant 176 : index
        %swap3A_571 = tpu.vector_load %arg8[%swap3A_569, %swap3A_570] {strides = array<i32>} : memref<256x200xf32, #tpu.memory_space<vmem>>, vector<16xf32>,
        tpu.vector_store %arg8[%swap3A_569, %swap3A_570], %gather3A_555 {strides = array<i32>} : memref<256x200xf32, #tpu.memory_space<vmem>>, vector<16xf32>,
        %swap3A_572 = arith.index_cast %add3A_524 : i32 to index
        %swap3A_573 = arith.constant 184 : index
        %swap3A_574 = tpu.vector_load %arg8[%swap3A_572, %swap3A_573] {strides = array<i32>} : memref<256x200xf32, #tpu.memory_space<vmem>>, vector<16xf32>,
        tpu.vector_store %arg8[%swap3A_572, %swap3A_573], %gather3A_559 {strides = array<i32>} : memref<256x200xf32, #tpu.memory_space<vmem>>, vector<16xf32>,
        %add3A_575 = arith.constant 66 : i32
        %add3A_576 = vector.broadcast %add3A_575 : i32 to vector<16xi32>
        %add3A_577 = arith.addi %scan3A_509, %add3A_576 : vector<16xi32>
        %add3A_578 = arith.constant 66 : i32
        %add3A_579 = vector.broadcast %add3A_578 : i32 to vector<16xi32>
        %add3A_580 = arith.addi %scan3A_510, %add3A_579 : vector<16xi32>
        %add3A_581 = arith.constant 66 : i32
        %add3A_582 = vector.broadcast %add3A_581 : i32 to vector<16xi32>
        %add3A_583 = arith.addi %scan3A_511, %add3A_582 : vector<16xi32>
        %add3A_584 = arith.constant 66 : i32
        %add3A_585 = vector.broadcast %add3A_584 : i32 to vector<16xi32>
        %add3A_586 = arith.addi %scan3A_512, %add3A_585 : vector<16xi32>
        %add3A_587 = arith.constant 66 : i32
        %add3A_588 = vector.broadcast %add3A_587 : i32 to vector<16xi32>
        %add3A_589 = arith.addi %scan3A_513, %add3A_588 : vector<16xi32>
        %add3A_590 = arith.constant 66 : i32
        %add3A_591 = vector.broadcast %add3A_590 : i32 to vector<16xi32>
        %add3A_592 = arith.addi %scan3A_514, %add3A_591 : vector<16xi32>
        %add3A_593 = arith.constant 66 : i32
        %add3A_594 = vector.broadcast %add3A_593 : i32 to vector<16xi32>
        %add3A_595 = arith.addi %scan3A_515, %add3A_594 : vector<16xi32>
        %add3A_596 = arith.constant 66 : i32
        %add3A_597 = vector.broadcast %add3A_596 : i32 to vector<16xi32>
        %add3A_598 = arith.addi %scan3A_516, %add3A_597 : vector<16xi32>
        %add3A_599 = arith.constant 66 : i32
        %add3A_600 = vector.broadcast %add3A_599 : i32 to vector<16xi32>
        %add3A_601 = arith.addi %scan3A_517, %add3A_600 : vector<16xi32>
        %add3A_602 = arith.constant 66 : i32
        %add3A_603 = vector.broadcast %add3A_602 : i32 to vector<16xi32>
        %add3A_604 = arith.addi %scan3A_518, %add3A_603 : vector<16xi32>
        %add3A_605 = arith.constant 66 : i32
        %add3A_606 = vector.broadcast %add3A_605 : i32 to vector<16xi32>
        %add3A_607 = arith.addi %scan3A_519, %add3A_606 : vector<16xi32>
        %add3A_608 = arith.constant 66 : i32
        %add3A_609 = vector.broadcast %add3A_608 : i32 to vector<16xi32>
        %add3A_610 = arith.addi %scan3A_520, %add3A_609 : vector<16xi32>
        %add3A_611 = arith.constant 66 : i32
        %add3A_612 = vector.broadcast %add3A_611 : i32 to vector<16xi32>
        %add3A_613 = arith.addi %scan3A_521, %add3A_612 : vector<16xi32>
        %scan3A_614 = arith.constant 1 : i32
        %scan3A_615 = arith.addi %scan3A_508, %scan3A_614 : i32
        %mul3A_616 = arith.constant 64 : i32
        %mul3A_617 = arith.muli %select_n3A_383, %mul3A_616 : i32
        %add3A_618 = arith.addi %mul3A_617, %scan3A_615 : i32
        %gather3A_619 = tpu.vector_load_idx %arg6[%add3A_577] : memref<4224xf32, #tpu.memory_space<vmem>>[vector<16xi32>], vector<16xf32>,
        %gather3A_620 = tpu.vector_load_idx %arg6[%add3A_580] : memref<4224xf32, #tpu.memory_space<vmem>>[vector<16xi32>], vector<16xf32>,
        %gather3A_621 = tpu.vector_load_idx %arg6[%add3A_583] : memref<4224xf32, #tpu.memory_space<vmem>>[vector<16xi32>], vector<16xf32>,
        %gather3A_622 = tpu.vector_load_idx %arg6[%add3A_586] : memref<4224xf32, #tpu.memory_space<vmem>>[vector<16xi32>], vector<16xf32>,
        %gather3A_623 = tpu.vector_load_idx %arg6[%add3A_589] : memref<4224xf32, #tpu.memory_space<vmem>>[vector<16xi32>], vector<16xf32>,
        %swap3A_624 = arith.index_cast %add3A_618 : i32 to index
        %swap3A_625 = arith.constant 0 : index
        %swap3A_626 = tpu.vector_load %arg8[%swap3A_624, %swap3A_625] {strides = array<i32>} : memref<256x200xf32, #tpu.memory_space<vmem>>, vector<16xf32>,
        tpu.vector_store %arg8[%swap3A_624, %swap3A_625], %gather3A_619 {strides = array<i32>} : memref<256x200xf32, #tpu.memory_space<vmem>>, vector<16xf32>,
        %gather3A_627 = tpu.vector_load_idx %arg6[%add3A_592] : memref<4224xf32, #tpu.memory_space<vmem>>[vector<16xi32>], vector<16xf32>,
        %swap3A_628 = arith.index_cast %add3A_618 : i32 to index
        %swap3A_629 = arith.constant 16 : index
        %swap3A_630 = tpu.vector_load %arg8[%swap3A_628, %swap3A_629] {strides = array<i32>} : memref<256x200xf32, #tpu.memory_space<vmem>>, vector<16xf32>,
        tpu.vector_store %arg8[%swap3A_628, %swap3A_629], %gather3A_620 {strides = array<i32>} : memref<256x200xf32, #tpu.memory_space<vmem>>, vector<16xf32>,
        %gather3A_631 = tpu.vector_load_idx %arg6[%add3A_595] : memref<4224xf32, #tpu.memory_space<vmem>>[vector<16xi32>], vector<16xf32>,
        %swap3A_632 = arith.index_cast %add3A_618 : i32 to index
        %swap3A_633 = arith.constant 32 : index
        %swap3A_634 = tpu.vector_load %arg8[%swap3A_632, %swap3A_633] {strides = array<i32>} : memref<256x200xf32, #tpu.memory_space<vmem>>, vector<16xf32>,
        tpu.vector_store %arg8[%swap3A_632, %swap3A_633], %gather3A_621 {strides = array<i32>} : memref<256x200xf32, #tpu.memory_space<vmem>>, vector<16xf32>,
        %gather3A_635 = tpu.vector_load_idx %arg6[%add3A_598] : memref<4224xf32, #tpu.memory_space<vmem>>[vector<16xi32>], vector<16xf32>,
        %swap3A_636 = arith.index_cast %add3A_618 : i32 to index
        %swap3A_637 = arith.constant 48 : index
        %swap3A_638 = tpu.vector_load %arg8[%swap3A_636, %swap3A_637] {strides = array<i32>} : memref<256x200xf32, #tpu.memory_space<vmem>>, vector<16xf32>,
        tpu.vector_store %arg8[%swap3A_636, %swap3A_637], %gather3A_622 {strides = array<i32>} : memref<256x200xf32, #tpu.memory_space<vmem>>, vector<16xf32>,
        %gather3A_639 = tpu.vector_load_idx %arg6[%add3A_601] : memref<4224xf32, #tpu.memory_space<vmem>>[vector<16xi32>], vector<16xf32>,
        %swap3A_640 = arith.index_cast %add3A_618 : i32 to index
        %swap3A_641 = arith.constant 64 : index
        %swap3A_642 = tpu.vector_load %arg8[%swap3A_640, %swap3A_641] {strides = array<i32>} : memref<256x200xf32, #tpu.memory_space<vmem>>, vector<16xf32>,
        tpu.vector_store %arg8[%swap3A_640, %swap3A_641], %gather3A_623 {strides = array<i32>} : memref<256x200xf32, #tpu.memory_space<vmem>>, vector<16xf32>,
        %gather3A_643 = tpu.vector_load_idx %arg6[%add3A_604] : memref<4224xf32, #tpu.memory_space<vmem>>[vector<16xi32>], vector<16xf32>,
        %swap3A_644 = arith.index_cast %add3A_618 : i32 to index
        %swap3A_645 = arith.constant 80 : index
        %swap3A_646 = tpu.vector_load %arg8[%swap3A_644, %swap3A_645] {strides = array<i32>} : memref<256x200xf32, #tpu.memory_space<vmem>>, vector<16xf32>,
        tpu.vector_store %arg8[%swap3A_644, %swap3A_645], %gather3A_627 {strides = array<i32>} : memref<256x200xf32, #tpu.memory_space<vmem>>, vector<16xf32>,
        %gather3A_647 = tpu.vector_load_idx %arg6[%add3A_607] : memref<4224xf32, #tpu.memory_space<vmem>>[vector<16xi32>], vector<16xf32>,
        %swap3A_648 = arith.index_cast %add3A_618 : i32 to index
        %swap3A_649 = arith.constant 96 : index
        %swap3A_650 = tpu.vector_load %arg8[%swap3A_648, %swap3A_649] {strides = array<i32>} : memref<256x200xf32, #tpu.memory_space<vmem>>, vector<16xf32>,
        tpu.vector_store %arg8[%swap3A_648, %swap3A_649], %gather3A_631 {strides = array<i32>} : memref<256x200xf32, #tpu.memory_space<vmem>>, vector<16xf32>,
        %gather3A_651 = tpu.vector_load_idx %arg6[%add3A_610] : memref<4224xf32, #tpu.memory_space<vmem>>[vector<16xi32>], vector<16xf32>,
        %swap3A_652 = arith.index_cast %add3A_618 : i32 to index
        %swap3A_653 = arith.constant 112 : index
        %swap3A_654 = tpu.vector_load %arg8[%swap3A_652, %swap3A_653] {strides = array<i32>} : memref<256x200xf32, #tpu.memory_space<vmem>>, vector<16xf32>,
        tpu.vector_store %arg8[%swap3A_652, %swap3A_653], %gather3A_635 {strides = array<i32>} : memref<256x200xf32, #tpu.memory_space<vmem>>, vector<16xf32>,
        %gather3A_655 = tpu.vector_load_idx %arg6[%add3A_613] : memref<4224xf32, #tpu.memory_space<vmem>>[vector<16xi32>], vector<16xf32>,
        %swap3A_656 = arith.index_cast %add3A_618 : i32 to index
        %swap3A_657 = arith.constant 128 : index
        %swap3A_658 = tpu.vector_load %arg8[%swap3A_656, %swap3A_657] {strides = array<i32>} : memref<256x200xf32, #tpu.memory_space<vmem>>, vector<16xf32>,
        tpu.vector_store %arg8[%swap3A_656, %swap3A_657], %gather3A_639 {strides = array<i32>} : memref<256x200xf32, #tpu.memory_space<vmem>>, vector<16xf32>,
        %swap3A_659 = arith.index_cast %add3A_618 : i32 to index
        %swap3A_660 = arith.constant 144 : index
        %swap3A_661 = tpu.vector_load %arg8[%swap3A_659, %swap3A_660] {strides = array<i32>} : memref<256x200xf32, #tpu.memory_space<vmem>>, vector<16xf32>,
        tpu.vector_store %arg8[%swap3A_659, %swap3A_660], %gather3A_643 {strides = array<i32>} : memref<256x200xf32, #tpu.memory_space<vmem>>, vector<16xf32>,
        %swap3A_662 = arith.index_cast %add3A_618 : i32 to index
        %swap3A_663 = arith.constant 160 : index
        %swap3A_664 = tpu.vector_load %arg8[%swap3A_662, %swap3A_663] {strides = array<i32>} : memref<256x200xf32, #tpu.memory_space<vmem>>, vector<16xf32>,
        tpu.vector_store %arg8[%swap3A_662, %swap3A_663], %gather3A_647 {strides = array<i32>} : memref<256x200xf32, #tpu.memory_space<vmem>>, vector<16xf32>,
        %swap3A_665 = arith.index_cast %add3A_618 : i32 to index
        %swap3A_666 = arith.constant 176 : index
        %swap3A_667 = tpu.vector_load %arg8[%swap3A_665, %swap3A_666] {strides = array<i32>} : memref<256x200xf32, #tpu.memory_space<vmem>>, vector<16xf32>,
        tpu.vector_store %arg8[%swap3A_665, %swap3A_666], %gather3A_651 {strides = array<i32>} : memref<256x200xf32, #tpu.memory_space<vmem>>, vector<16xf32>,
        %swap3A_668 = arith.index_cast %add3A_618 : i32 to index
        %swap3A_669 = arith.constant 184 : index
        %swap3A_670 = tpu.vector_load %arg8[%swap3A_668, %swap3A_669] {strides = array<i32>} : memref<256x200xf32, #tpu.memory_space<vmem>>, vector<16xf32>,
        tpu.vector_store %arg8[%swap3A_668, %swap3A_669], %gather3A_655 {strides = array<i32>} : memref<256x200xf32, #tpu.memory_space<vmem>>, vector<16xf32>,
        %add3A_671 = arith.constant 66 : i32
        %add3A_672 = vector.broadcast %add3A_671 : i32 to vector<16xi32>
        %add3A_673 = arith.addi %add3A_577, %add3A_672 : vector<16xi32>
        %add3A_674 = arith.constant 66 : i32
        %add3A_675 = vector.broadcast %add3A_674 : i32 to vector<16xi32>
        %add3A_676 = arith.addi %add3A_580, %add3A_675 : vector<16xi32>
        %add3A_677 = arith.constant 66 : i32
        %add3A_678 = vector.broadcast %add3A_677 : i32 to vector<16xi32>
        %add3A_679 = arith.addi %add3A_583, %add3A_678 : vector<16xi32>
        %add3A_680 = arith.constant 66 : i32
        %add3A_681 = vector.broadcast %add3A_680 : i32 to vector<16xi32>
        %add3A_682 = arith.addi %add3A_586, %add3A_681 : vector<16xi32>
        %add3A_683 = arith.constant 66 : i32
        %add3A_684 = vector.broadcast %add3A_683 : i32 to vector<16xi32>
        %add3A_685 = arith.addi %add3A_589, %add3A_684 : vector<16xi32>
        %add3A_686 = arith.constant 66 : i32
        %add3A_687 = vector.broadcast %add3A_686 : i32 to vector<16xi32>
        %add3A_688 = arith.addi %add3A_592, %add3A_687 : vector<16xi32>
        %add3A_689 = arith.constant 66 : i32
        %add3A_690 = vector.broadcast %add3A_689 : i32 to vector<16xi32>
        %add3A_691 = arith.addi %add3A_595, %add3A_690 : vector<16xi32>
        %add3A_692 = arith.constant 66 : i32
        %add3A_693 = vector.broadcast %add3A_692 : i32 to vector<16xi32>
        %add3A_694 = arith.addi %add3A_598, %add3A_693 : vector<16xi32>
        %add3A_695 = arith.constant 66 : i32
        %add3A_696 = vector.broadcast %add3A_695 : i32 to vector<16xi32>
        %add3A_697 = arith.addi %add3A_601, %add3A_696 : vector<16xi32>
        %add3A_698 = arith.constant 66 : i32
        %add3A_699 = vector.broadcast %add3A_698 : i32 to vector<16xi32>
        %add3A_700 = arith.addi %add3A_604, %add3A_699 : vector<16xi32>
        %add3A_701 = arith.constant 66 : i32
        %add3A_702 = vector.broadcast %add3A_701 : i32 to vector<16xi32>
        %add3A_703 = arith.addi %add3A_607, %add3A_702 : vector<16xi32>
        %add3A_704 = arith.constant 66 : i32
        %add3A_705 = vector.broadcast %add3A_704 : i32 to vector<16xi32>
        %add3A_706 = arith.addi %add3A_610, %add3A_705 : vector<16xi32>
        %add3A_707 = arith.constant 66 : i32
        %add3A_708 = vector.broadcast %add3A_707 : i32 to vector<16xi32>
        %add3A_709 = arith.addi %add3A_613, %add3A_708 : vector<16xi32>
        scf.yield %add3A_673, %add3A_676, %add3A_679, %add3A_682, %add3A_685, %add3A_688, %add3A_691, %add3A_694, %add3A_697, %add3A_700, %add3A_703, %add3A_706, %add3A_709 : vector<16xi32>, vector<16xi32>, vector<16xi32>, vector<16xi32>, vector<16xi32>, vector<16xi32>, vector<16xi32>, vector<16xi32>, vector<16xi32>, vector<16xi32>, vector<16xi32>, vector<16xi32>, vector<16xi32>
      }
      %scan3A_486 = arith.constant 64 : i32
      %add3A_487 = arith.constant 2 : i32
      %add3A_488 = arith.addi %scan3A_367, %add3A_487 : i32
      %lt3A_489 = arith.constant 25 : i32
      %lt3A_490 = arith.cmpi slt, %add3A_488, %lt3A_489 : i32
      %convert_element_type3A_491 = arith.extui %lt3A_490 : i1 to i32
      %cond3A_492 = arith.constant 0 : i32
      %cond3A_493 = arith.cmpi ne, %convert_element_type3A_491, %cond3A_492 : i32
      scf.if %cond3A_493 {
        %add3A_508 = arith.constant 2 : i32
        %add3A_509 = arith.addi %add3A_384, %add3A_508 : i32
        %add3A_510 = arith.constant 2 : i32
        %add3A_511 = arith.addi %select_n3A_383, %add3A_510 : i32
        %jit3A_512 = arith.constant 4 : i32
        %eq3A_513 = arith.constant 0 : i32
        %eq3A_514 = arith.cmpi eq, %jit3A_512, %eq3A_513 : i32
        %jit3A_515 = arith.constant 1 : i32
        %select_n3A_516 = arith.select %eq3A_514, %jit3A_515, %jit3A_512 : i32
        %rem3A_517 = arith.remsi %add3A_511, %select_n3A_516 : i32
        %ne3A_518 = arith.constant 0 : i32
        %ne3A_519 = arith.cmpi ne, %rem3A_517, %ne3A_518 : i32
        %lt3A_520 = arith.constant 0 : i32
        %lt3A_521 = arith.cmpi slt, %rem3A_517, %lt3A_520 : i32
        %lt3A_522 = arith.constant 0 : i32
        %lt3A_523 = arith.cmpi slt, %select_n3A_516, %lt3A_522 : i32
        %ne3A_524 = arith.xori %lt3A_521, %lt3A_523 : i1
        %and3A_525 = arith.andi %ne3A_524, %ne3A_519 : i1
        %add3A_526 = arith.addi %rem3A_517, %select_n3A_516 : i32
        %select_n3A_527 = arith.select %and3A_525, %add3A_526, %rem3A_517 : i32
        %jit3A_528 = arith.constant 200 : i32
        %div3A_529 = arith.divsi %add3A_509, %jit3A_528 : i32
        %sign3A_530 = arith.constant 0 : i32
        %sign3A_531 = arith.cmpi sgt, %add3A_509, %sign3A_530 : i32
        %sign3A_532 = arith.extui %sign3A_531 : i1 to i32
        %sign3A_533 = arith.constant 0 : i32
        %sign3A_534 = arith.cmpi slt, %add3A_509, %sign3A_533 : i32
        %sign3A_535 = arith.extui %sign3A_534 : i1 to i32
        %sign3A_536 = arith.subi %sign3A_532, %sign3A_535 : i32
        %sign3A_537 = arith.constant 0 : i32
        %sign3A_538 = arith.cmpi sgt, %jit3A_528, %sign3A_537 : i32
        %sign3A_539 = arith.extui %sign3A_538 : i1 to i32
        %sign3A_540 = arith.constant 0 : i32
        %sign3A_541 = arith.cmpi slt, %jit3A_528, %sign3A_540 : i32
        %sign3A_542 = arith.extui %sign3A_541 : i1 to i32
        %sign3A_543 = arith.subi %sign3A_539, %sign3A_542 : i32
        %ne3A_544 = arith.cmpi ne, %sign3A_536, %sign3A_543 : i32
        %rem3A_545 = arith.remsi %add3A_509, %jit3A_528 : i32
        %ne3A_546 = arith.constant 0 : i32
        %ne3A_547 = arith.cmpi ne, %rem3A_545, %ne3A_546 : i32
        %and3A_548 = arith.andi %ne3A_544, %ne3A_547 : i1
        %sub3A_549 = arith.constant 1 : i32
        %sub3A_550 = arith.subi %div3A_529, %sub3A_549 : i32
        %select_n3A_551 = arith.select %and3A_548, %sub3A_550, %div3A_529 : i32
        %jit3A_552 = arith.constant 200 : i32
        %eq3A_553 = arith.constant 0 : i32
        %eq3A_554 = arith.cmpi eq, %jit3A_552, %eq3A_553 : i32
        %jit3A_555 = arith.constant 1 : i32
        %select_n3A_556 = arith.select %eq3A_554, %jit3A_555, %jit3A_552 : i32
        %rem3A_557 = arith.remsi %add3A_509, %select_n3A_556 : i32
        %ne3A_558 = arith.constant 0 : i32
        %ne3A_559 = arith.cmpi ne, %rem3A_557, %ne3A_558 : i32
        %lt3A_560 = arith.constant 0 : i32
        %lt3A_561 = arith.cmpi slt, %rem3A_557, %lt3A_560 : i32
        %lt3A_562 = arith.constant 0 : i32
        %lt3A_563 = arith.cmpi slt, %select_n3A_556, %lt3A_562 : i32
        %ne3A_564 = arith.xori %lt3A_561, %lt3A_563 : i1
        %and3A_565 = arith.andi %ne3A_564, %ne3A_559 : i1
        %add3A_566 = arith.addi %rem3A_557, %select_n3A_556 : i32
        %select_n3A_567 = arith.select %and3A_565, %add3A_566, %rem3A_557 : i32
        %dma_start3A_568 = arith.constant 0 : i32
        %dma_start3A_569 = tpu.memref_slice %arg7[%select_n3A_527, %dma_start3A_568] : memref<4x200xi32, #tpu.memory_space<vmem>> -> memref<1x200xi32, #tpu.memory_space<vmem>>
        %dma_start3A_570 = tpu.memref_squeeze %dma_start3A_569 : memref<1x200xi32, #tpu.memory_space<vmem>> -> memref<200xi32, #tpu.memory_space<vmem>>
        %dma_start3A_571 = arith.constant 0 : i32
        %dma_start3A_572 = tpu.memref_slice %arg2[%select_n3A_551, %select_n3A_567, %dma_start3A_571] : memref<4x200x200xi32, #tpu.memory_space<hbm>> -> memref<1x1x200xi32, #tpu.memory_space<hbm>>
        %dma_start3A_573 = tpu.memref_squeeze %dma_start3A_572 : memref<1x1x200xi32, #tpu.memory_space<hbm>> -> memref<200xi32, #tpu.memory_space<hbm>>
        %dma_start3A_574 = tpu.memref_slice %arg9[%select_n3A_527] : memref<4x!tpu.dma_semaphore, #tpu.memory_space<semaphore_mem>> -> memref<1x!tpu.dma_semaphore, #tpu.memory_space<semaphore_mem>>
        %dma_start3A_575 = tpu.memref_squeeze %dma_start3A_574 : memref<1x!tpu.dma_semaphore, #tpu.memory_space<semaphore_mem>> -> memref<!tpu.dma_semaphore, #tpu.memory_space<semaphore_mem>>
        %dma_start3A_576 = arith.constant 0 : i32
        %dma_start3A_577 = tpu.memref_slice %arg7[%select_n3A_527, %dma_start3A_576] : memref<4x200xi32, #tpu.memory_space<vmem>> -> memref<1x200xi32, #tpu.memory_space<vmem>>
        %dma_start3A_578 = tpu.memref_squeeze %dma_start3A_577 : memref<1x200xi32, #tpu.memory_space<vmem>> -> memref<200xi32, #tpu.memory_space<vmem>>
        %dma_start3A_579 = arith.constant 0 : i32
        %dma_start3A_580 = tpu.memref_slice %arg2[%select_n3A_551, %select_n3A_567, %dma_start3A_579] : memref<4x200x200xi32, #tpu.memory_space<hbm>> -> memref<1x1x200xi32, #tpu.memory_space<hbm>>
        %dma_start3A_581 = tpu.memref_squeeze %dma_start3A_580 : memref<1x1x200xi32, #tpu.memory_space<hbm>> -> memref<200xi32, #tpu.memory_space<hbm>>
        tpu.enqueue_dma source(%dma_start3A_581 : memref<200xi32, #tpu.memory_space<hbm>>) target(%dma_start3A_578 : memref<200xi32, #tpu.memory_space<vmem>>) target_semaphore(%dma_start3A_575 : memref<!tpu.dma_semaphore, #tpu.memory_space<semaphore_mem>>)
      } else {
      }
      %dma_start3A_494 = arith.constant 0 : i32
      %dma_start3A_495 = tpu.memref_slice %arg8[%mul3A_426, %dma_start3A_494] : memref<256x200xf32, #tpu.memory_space<vmem>> -> memref<64x200xf32, #tpu.memory_space<vmem>>
      %dma_start3A_496 = arith.constant 0 : i32
      %dma_start3A_497 = arith.constant 0 : i32
      %dma_start3A_498 = tpu.memref_slice %arg4[%select_n3A_408, %select_n3A_424, %dma_start3A_496, %dma_start3A_497] : memref<4x200x64x200xf32, #tpu.memory_space<hbm>> -> memref<1x1x64x200xf32, #tpu.memory_space<hbm>>
      %dma_start3A_499 = tpu.memref_squeeze %dma_start3A_498 : memref<1x1x64x200xf32, #tpu.memory_space<hbm>> -> memref<64x200xf32, #tpu.memory_space<hbm>>
      %dma_start3A_500 = tpu.memref_slice %arg10[%select_n3A_383] : memref<4x!tpu.dma_semaphore, #tpu.memory_space<semaphore_mem>> -> memref<1x!tpu.dma_semaphore, #tpu.memory_space<semaphore_mem>>
      %dma_start3A_501 = tpu.memref_squeeze %dma_start3A_500 : memref<1x!tpu.dma_semaphore, #tpu.memory_space<semaphore_mem>> -> memref<!tpu.dma_semaphore, #tpu.memory_space<semaphore_mem>>
      %dma_start3A_502 = arith.constant 0 : i32
      %dma_start3A_503 = arith.constant 0 : i32
      %dma_start3A_504 = tpu.memref_slice %arg4[%select_n3A_408, %select_n3A_424, %dma_start3A_502, %dma_start3A_503] : memref<4x200x64x200xf32, #tpu.memory_space<hbm>> -> memref<1x1x64x200xf32, #tpu.memory_space<hbm>>
      %dma_start3A_505 = tpu.memref_squeeze %dma_start3A_504 : memref<1x1x64x200xf32, #tpu.memory_space<hbm>> -> memref<64x200xf32, #tpu.memory_space<hbm>>
      %dma_start3A_506 = arith.constant 0 : i32
      %dma_start3A_507 = tpu.memref_slice %arg8[%mul3A_426, %dma_start3A_506] : memref<256x200xf32, #tpu.memory_space<vmem>> -> memref<64x200xf32, #tpu.memory_space<vmem>>
      tpu.enqueue_dma source(%dma_start3A_507 : memref<64x200xf32, #tpu.memory_space<vmem>>) target(%dma_start3A_505 : memref<64x200xf32, #tpu.memory_space<hbm>>) target_semaphore(%dma_start3A_501 : memref<!tpu.dma_semaphore, #tpu.memory_space<semaphore_mem>>)
    }
    %scan3A_131 = arith.constant 25 : i32
    %add3A_132 = arith.constant 21 : i32
    %add3A_133 = arith.addi %mul3A_2, %add3A_132 : i32
    %jit3A_134 = arith.constant 200 : i32
    %div3A_135 = arith.divsi %add3A_133, %jit3A_134 : i32
    %sign3A_136 = arith.constant 0 : i32
    %sign3A_137 = arith.cmpi sgt, %add3A_133, %sign3A_136 : i32
    %sign3A_138 = arith.extui %sign3A_137 : i1 to i32
    %sign3A_139 = arith.constant 0 : i32
    %sign3A_140 = arith.cmpi slt, %add3A_133, %sign3A_139 : i32
    %sign3A_141 = arith.extui %sign3A_140 : i1 to i32
    %sign3A_142 = arith.subi %sign3A_138, %sign3A_141 : i32
    %sign3A_143 = arith.constant 0 : i32
    %sign3A_144 = arith.cmpi sgt, %jit3A_134, %sign3A_143 : i32
    %sign3A_145 = arith.extui %sign3A_144 : i1 to i32
    %sign3A_146 = arith.constant 0 : i32
    %sign3A_147 = arith.cmpi slt, %jit3A_134, %sign3A_146 : i32
    %sign3A_148 = arith.extui %sign3A_147 : i1 to i32
    %sign3A_149 = arith.subi %sign3A_145, %sign3A_148 : i32
    %ne3A_150 = arith.cmpi ne, %sign3A_142, %sign3A_149 : i32
    %rem3A_151 = arith.remsi %add3A_133, %jit3A_134 : i32
    %ne3A_152 = arith.constant 0 : i32
    %ne3A_153 = arith.cmpi ne, %rem3A_151, %ne3A_152 : i32
    %and3A_154 = arith.andi %ne3A_150, %ne3A_153 : i1
    %sub3A_155 = arith.constant 1 : i32
    %sub3A_156 = arith.subi %div3A_135, %sub3A_155 : i32
    %select_n3A_157 = arith.select %and3A_154, %sub3A_156, %div3A_135 : i32
    %jit3A_158 = arith.constant 200 : i32
    %eq3A_159 = arith.constant 0 : i32
    %eq3A_160 = arith.cmpi eq, %jit3A_158, %eq3A_159 : i32
    %jit3A_161 = arith.constant 1 : i32
    %select_n3A_162 = arith.select %eq3A_160, %jit3A_161, %jit3A_158 : i32
    %rem3A_163 = arith.remsi %add3A_133, %select_n3A_162 : i32
    %ne3A_164 = arith.constant 0 : i32
    %ne3A_165 = arith.cmpi ne, %rem3A_163, %ne3A_164 : i32
    %lt3A_166 = arith.constant 0 : i32
    %lt3A_167 = arith.cmpi slt, %rem3A_163, %lt3A_166 : i32
    %lt3A_168 = arith.constant 0 : i32
    %lt3A_169 = arith.cmpi slt, %select_n3A_162, %lt3A_168 : i32
    %ne3A_170 = arith.xori %lt3A_167, %lt3A_169 : i1
    %and3A_171 = arith.andi %ne3A_170, %ne3A_165 : i1
    %add3A_172 = arith.addi %rem3A_163, %select_n3A_162 : i32
    %select_n3A_173 = arith.select %and3A_171, %add3A_172, %rem3A_163 : i32
    %dma_wait3A = arith.constant 1 : i32
    %dma_wait3A_174 = arith.constant 64 : i32
    %dma_wait3A_175 = arith.constant 0 : i32
    %dma_wait3A_176 = tpu.memref_slice %arg8[%dma_wait3A_174, %dma_wait3A_175] : memref<256x200xf32, #tpu.memory_space<vmem>> -> memref<64x200xf32, #tpu.memory_space<vmem>>
    %dma_wait3A_177 = arith.constant 0 : i32
    %dma_wait3A_178 = arith.constant 0 : i32
    %dma_wait3A_179 = tpu.memref_slice %arg4[%select_n3A_157, %select_n3A_173, %dma_wait3A_177, %dma_wait3A_178] : memref<4x200x64x200xf32, #tpu.memory_space<hbm>> -> memref<1x1x64x200xf32, #tpu.memory_space<hbm>>
    %dma_wait3A_180 = tpu.memref_squeeze %dma_wait3A_179 : memref<1x1x64x200xf32, #tpu.memory_space<hbm>> -> memref<64x200xf32, #tpu.memory_space<hbm>>
    %dma_wait3A_181 = tpu.memref_slice %arg10[%dma_wait3A] : memref<4x!tpu.dma_semaphore, #tpu.memory_space<semaphore_mem>> -> memref<1x!tpu.dma_semaphore, #tpu.memory_space<semaphore_mem>>
    %dma_wait3A_182 = tpu.memref_squeeze %dma_wait3A_181 : memref<1x!tpu.dma_semaphore, #tpu.memory_space<semaphore_mem>> -> memref<!tpu.dma_semaphore, #tpu.memory_space<semaphore_mem>>
    %dma_wait3A_183 = arith.constant 0 : i32
    %dma_wait3A_184 = arith.constant 0 : i32
    %dma_wait3A_185 = tpu.memref_slice %arg4[%select_n3A_157, %select_n3A_173, %dma_wait3A_183, %dma_wait3A_184] : memref<4x200x64x200xf32, #tpu.memory_space<hbm>> -> memref<1x1x64x200xf32, #tpu.memory_space<hbm>>
    %dma_wait3A_186 = tpu.memref_squeeze %dma_wait3A_185 : memref<1x1x64x200xf32, #tpu.memory_space<hbm>> -> memref<64x200xf32, #tpu.memory_space<hbm>>
    %dma_wait3A_187 = arith.constant 64 : i32
    %dma_wait3A_188 = arith.constant 0 : i32
    %dma_wait3A_189 = tpu.memref_slice %arg8[%dma_wait3A_187, %dma_wait3A_188] : memref<256x200xf32, #tpu.memory_space<vmem>> -> memref<64x200xf32, #tpu.memory_space<vmem>>
    tpu.wait_dma2 semaphore(%dma_wait3A_182 : memref<!tpu.dma_semaphore, #tpu.memory_space<semaphore_mem>>) src(%dma_wait3A_189 : memref<64x200xf32, #tpu.memory_space<vmem>>) dst(%dma_wait3A_186 : memref<64x200xf32, #tpu.memory_space<hbm>>)
    %add3A_190 = arith.constant 22 : i32
    %add3A_191 = arith.addi %mul3A_2, %add3A_190 : i32
    %jit3A_192 = arith.constant 200 : i32
    %div3A_193 = arith.divsi %add3A_191, %jit3A_192 : i32
    %sign3A_194 = arith.constant 0 : i32
    %sign3A_195 = arith.cmpi sgt, %add3A_191, %sign3A_194 : i32
    %sign3A_196 = arith.extui %sign3A_195 : i1 to i32
    %sign3A_197 = arith.constant 0 : i32
    %sign3A_198 = arith.cmpi slt, %add3A_191, %sign3A_197 : i32
    %sign3A_199 = arith.extui %sign3A_198 : i1 to i32
    %sign3A_200 = arith.subi %sign3A_196, %sign3A_199 : i32
    %sign3A_201 = arith.constant 0 : i32
    %sign3A_202 = arith.cmpi sgt, %jit3A_192, %sign3A_201 : i32
    %sign3A_203 = arith.extui %sign3A_202 : i1 to i32
    %sign3A_204 = arith.constant 0 : i32
    %sign3A_205 = arith.cmpi slt, %jit3A_192, %sign3A_204 : i32
    %sign3A_206 = arith.extui %sign3A_205 : i1 to i32
    %sign3A_207 = arith.subi %sign3A_203, %sign3A_206 : i32
    %ne3A_208 = arith.cmpi ne, %sign3A_200, %sign3A_207 : i32
    %rem3A_209 = arith.remsi %add3A_191, %jit3A_192 : i32
    %ne3A_210 = arith.constant 0 : i32
    %ne3A_211 = arith.cmpi ne, %rem3A_209, %ne3A_210 : i32
    %and3A_212 = arith.andi %ne3A_208, %ne3A_211 : i1
    %sub3A_213 = arith.constant 1 : i32
    %sub3A_214 = arith.subi %div3A_193, %sub3A_213 : i32
    %select_n3A_215 = arith.select %and3A_212, %sub3A_214, %div3A_193 : i32
    %jit3A_216 = arith.constant 200 : i32
    %eq3A_217 = arith.constant 0 : i32
    %eq3A_218 = arith.cmpi eq, %jit3A_216, %eq3A_217 : i32
    %jit3A_219 = arith.constant 1 : i32
    %select_n3A_220 = arith.select %eq3A_218, %jit3A_219, %jit3A_216 : i32
    %rem3A_221 = arith.remsi %add3A_191, %select_n3A_220 : i32
    %ne3A_222 = arith.constant 0 : i32
    %ne3A_223 = arith.cmpi ne, %rem3A_221, %ne3A_222 : i32
    %lt3A_224 = arith.constant 0 : i32
    %lt3A_225 = arith.cmpi slt, %rem3A_221, %lt3A_224 : i32
    %lt3A_226 = arith.constant 0 : i32
    %lt3A_227 = arith.cmpi slt, %select_n3A_220, %lt3A_226 : i32
    %ne3A_228 = arith.xori %lt3A_225, %lt3A_227 : i1
    %and3A_229 = arith.andi %ne3A_228, %ne3A_223 : i1
    %add3A_230 = arith.addi %rem3A_221, %select_n3A_220 : i32
    %select_n3A_231 = arith.select %and3A_229, %add3A_230, %rem3A_221 : i32
    %dma_wait3A_232 = arith.constant 2 : i32
    %dma_wait3A_233 = arith.constant 128 : i32
    %dma_wait3A_234 = arith.constant 0 : i32
    %dma_wait3A_235 = tpu.memref_slice %arg8[%dma_wait3A_233, %dma_wait3A_234] : memref<256x200xf32, #tpu.memory_space<vmem>> -> memref<64x200xf32, #tpu.memory_space<vmem>>
    %dma_wait3A_236 = arith.constant 0 : i32
    %dma_wait3A_237 = arith.constant 0 : i32
    %dma_wait3A_238 = tpu.memref_slice %arg4[%select_n3A_215, %select_n3A_231, %dma_wait3A_236, %dma_wait3A_237] : memref<4x200x64x200xf32, #tpu.memory_space<hbm>> -> memref<1x1x64x200xf32, #tpu.memory_space<hbm>>
    %dma_wait3A_239 = tpu.memref_squeeze %dma_wait3A_238 : memref<1x1x64x200xf32, #tpu.memory_space<hbm>> -> memref<64x200xf32, #tpu.memory_space<hbm>>
    %dma_wait3A_240 = tpu.memref_slice %arg10[%dma_wait3A_232] : memref<4x!tpu.dma_semaphore, #tpu.memory_space<semaphore_mem>> -> memref<1x!tpu.dma_semaphore, #tpu.memory_space<semaphore_mem>>
    %dma_wait3A_241 = tpu.memref_squeeze %dma_wait3A_240 : memref<1x!tpu.dma_semaphore, #tpu.memory_space<semaphore_mem>> -> memref<!tpu.dma_semaphore, #tpu.memory_space<semaphore_mem>>
    %dma_wait3A_242 = arith.constant 0 : i32
    %dma_wait3A_243 = arith.constant 0 : i32
    %dma_wait3A_244 = tpu.memref_slice %arg4[%select_n3A_215, %select_n3A_231, %dma_wait3A_242, %dma_wait3A_243] : memref<4x200x64x200xf32, #tpu.memory_space<hbm>> -> memref<1x1x64x200xf32, #tpu.memory_space<hbm>>
    %dma_wait3A_245 = tpu.memref_squeeze %dma_wait3A_244 : memref<1x1x64x200xf32, #tpu.memory_space<hbm>> -> memref<64x200xf32, #tpu.memory_space<hbm>>
    %dma_wait3A_246 = arith.constant 128 : i32
    %dma_wait3A_247 = arith.constant 0 : i32
    %dma_wait3A_248 = tpu.memref_slice %arg8[%dma_wait3A_246, %dma_wait3A_247] : memref<256x200xf32, #tpu.memory_space<vmem>> -> memref<64x200xf32, #tpu.memory_space<vmem>>
    tpu.wait_dma2 semaphore(%dma_wait3A_241 : memref<!tpu.dma_semaphore, #tpu.memory_space<semaphore_mem>>) src(%dma_wait3A_248 : memref<64x200xf32, #tpu.memory_space<vmem>>) dst(%dma_wait3A_245 : memref<64x200xf32, #tpu.memory_space<hbm>>)
    %add3A_249 = arith.constant 23 : i32
    %add3A_250 = arith.addi %mul3A_2, %add3A_249 : i32
    %jit3A_251 = arith.constant 200 : i32
    %div3A_252 = arith.divsi %add3A_250, %jit3A_251 : i32
    %sign3A_253 = arith.constant 0 : i32
    %sign3A_254 = arith.cmpi sgt, %add3A_250, %sign3A_253 : i32
    %sign3A_255 = arith.extui %sign3A_254 : i1 to i32
    %sign3A_256 = arith.constant 0 : i32
    %sign3A_257 = arith.cmpi slt, %add3A_250, %sign3A_256 : i32
    %sign3A_258 = arith.extui %sign3A_257 : i1 to i32
    %sign3A_259 = arith.subi %sign3A_255, %sign3A_258 : i32
    %sign3A_260 = arith.constant 0 : i32
    %sign3A_261 = arith.cmpi sgt, %jit3A_251, %sign3A_260 : i32
    %sign3A_262 = arith.extui %sign3A_261 : i1 to i32
    %sign3A_263 = arith.constant 0 : i32
    %sign3A_264 = arith.cmpi slt, %jit3A_251, %sign3A_263 : i32
    %sign3A_265 = arith.extui %sign3A_264 : i1 to i32
    %sign3A_266 = arith.subi %sign3A_262, %sign3A_265 : i32
    %ne3A_267 = arith.cmpi ne, %sign3A_259, %sign3A_266 : i32
    %rem3A_268 = arith.remsi %add3A_250, %jit3A_251 : i32
    %ne3A_269 = arith.constant 0 : i32
    %ne3A_270 = arith.cmpi ne, %rem3A_268, %ne3A_269 : i32
    %and3A_271 = arith.andi %ne3A_267, %ne3A_270 : i1
    %sub3A_272 = arith.constant 1 : i32
    %sub3A_273 = arith.subi %div3A_252, %sub3A_272 : i32
    %select_n3A_274 = arith.select %and3A_271, %sub3A_273, %div3A_252 : i32
    %jit3A_275 = arith.constant 200 : i32
    %eq3A_276 = arith.constant 0 : i32
    %eq3A_277 = arith.cmpi eq, %jit3A_275, %eq3A_276 : i32
    %jit3A_278 = arith.constant 1 : i32
    %select_n3A_279 = arith.select %eq3A_277, %jit3A_278, %jit3A_275 : i32
    %rem3A_280 = arith.remsi %add3A_250, %select_n3A_279 : i32
    %ne3A_281 = arith.constant 0 : i32
    %ne3A_282 = arith.cmpi ne, %rem3A_280, %ne3A_281 : i32
    %lt3A_283 = arith.constant 0 : i32
    %lt3A_284 = arith.cmpi slt, %rem3A_280, %lt3A_283 : i32
    %lt3A_285 = arith.constant 0 : i32
    %lt3A_286 = arith.cmpi slt, %select_n3A_279, %lt3A_285 : i32
    %ne3A_287 = arith.xori %lt3A_284, %lt3A_286 : i1
    %and3A_288 = arith.andi %ne3A_287, %ne3A_282 : i1
    %add3A_289 = arith.addi %rem3A_280, %select_n3A_279 : i32
    %select_n3A_290 = arith.select %and3A_288, %add3A_289, %rem3A_280 : i32
    %dma_wait3A_291 = arith.constant 3 : i32
    %dma_wait3A_292 = arith.constant 192 : i32
    %dma_wait3A_293 = arith.constant 0 : i32
    %dma_wait3A_294 = tpu.memref_slice %arg8[%dma_wait3A_292, %dma_wait3A_293] : memref<256x200xf32, #tpu.memory_space<vmem>> -> memref<64x200xf32, #tpu.memory_space<vmem>>
    %dma_wait3A_295 = arith.constant 0 : i32
    %dma_wait3A_296 = arith.constant 0 : i32
    %dma_wait3A_297 = tpu.memref_slice %arg4[%select_n3A_274, %select_n3A_290, %dma_wait3A_295, %dma_wait3A_296] : memref<4x200x64x200xf32, #tpu.memory_space<hbm>> -> memref<1x1x64x200xf32, #tpu.memory_space<hbm>>
    %dma_wait3A_298 = tpu.memref_squeeze %dma_wait3A_297 : memref<1x1x64x200xf32, #tpu.memory_space<hbm>> -> memref<64x200xf32, #tpu.memory_space<hbm>>
    %dma_wait3A_299 = tpu.memref_slice %arg10[%dma_wait3A_291] : memref<4x!tpu.dma_semaphore, #tpu.memory_space<semaphore_mem>> -> memref<1x!tpu.dma_semaphore, #tpu.memory_space<semaphore_mem>>
    %dma_wait3A_300 = tpu.memref_squeeze %dma_wait3A_299 : memref<1x!tpu.dma_semaphore, #tpu.memory_space<semaphore_mem>> -> memref<!tpu.dma_semaphore, #tpu.memory_space<semaphore_mem>>
    %dma_wait3A_301 = arith.constant 0 : i32
    %dma_wait3A_302 = arith.constant 0 : i32
    %dma_wait3A_303 = tpu.memref_slice %arg4[%select_n3A_274, %select_n3A_290, %dma_wait3A_301, %dma_wait3A_302] : memref<4x200x64x200xf32, #tpu.memory_space<hbm>> -> memref<1x1x64x200xf32, #tpu.memory_space<hbm>>
    %dma_wait3A_304 = tpu.memref_squeeze %dma_wait3A_303 : memref<1x1x64x200xf32, #tpu.memory_space<hbm>> -> memref<64x200xf32, #tpu.memory_space<hbm>>
    %dma_wait3A_305 = arith.constant 192 : i32
    %dma_wait3A_306 = arith.constant 0 : i32
    %dma_wait3A_307 = tpu.memref_slice %arg8[%dma_wait3A_305, %dma_wait3A_306] : memref<256x200xf32, #tpu.memory_space<vmem>> -> memref<64x200xf32, #tpu.memory_space<vmem>>
    tpu.wait_dma2 semaphore(%dma_wait3A_300 : memref<!tpu.dma_semaphore, #tpu.memory_space<semaphore_mem>>) src(%dma_wait3A_307 : memref<64x200xf32, #tpu.memory_space<vmem>>) dst(%dma_wait3A_304 : memref<64x200xf32, #tpu.memory_space<hbm>>)
    %add3A_308 = arith.constant 24 : i32
    %add3A_309 = arith.addi %mul3A_2, %add3A_308 : i32
    %jit3A_310 = arith.constant 200 : i32
    %div3A_311 = arith.divsi %add3A_309, %jit3A_310 : i32
    %sign3A_312 = arith.constant 0 : i32
    %sign3A_313 = arith.cmpi sgt, %add3A_309, %sign3A_312 : i32
    %sign3A_314 = arith.extui %sign3A_313 : i1 to i32
    %sign3A_315 = arith.constant 0 : i32
    %sign3A_316 = arith.cmpi slt, %add3A_309, %sign3A_315 : i32
    %sign3A_317 = arith.extui %sign3A_316 : i1 to i32
    %sign3A_318 = arith.subi %sign3A_314, %sign3A_317 : i32
    %sign3A_319 = arith.constant 0 : i32
    %sign3A_320 = arith.cmpi sgt, %jit3A_310, %sign3A_319 : i32
    %sign3A_321 = arith.extui %sign3A_320 : i1 to i32
    %sign3A_322 = arith.constant 0 : i32
    %sign3A_323 = arith.cmpi slt, %jit3A_310, %sign3A_322 : i32
    %sign3A_324 = arith.extui %sign3A_323 : i1 to i32
    %sign3A_325 = arith.subi %sign3A_321, %sign3A_324 : i32
    %ne3A_326 = arith.cmpi ne, %sign3A_318, %sign3A_325 : i32
    %rem3A_327 = arith.remsi %add3A_309, %jit3A_310 : i32
    %ne3A_328 = arith.constant 0 : i32
    %ne3A_329 = arith.cmpi ne, %rem3A_327, %ne3A_328 : i32
    %and3A_330 = arith.andi %ne3A_326, %ne3A_329 : i1
    %sub3A_331 = arith.constant 1 : i32
    %sub3A_332 = arith.subi %div3A_311, %sub3A_331 : i32
    %select_n3A_333 = arith.select %and3A_330, %sub3A_332, %div3A_311 : i32
    %jit3A_334 = arith.constant 200 : i32
    %eq3A_335 = arith.constant 0 : i32
    %eq3A_336 = arith.cmpi eq, %jit3A_334, %eq3A_335 : i32
    %jit3A_337 = arith.constant 1 : i32
    %select_n3A_338 = arith.select %eq3A_336, %jit3A_337, %jit3A_334 : i32
    %rem3A_339 = arith.remsi %add3A_309, %select_n3A_338 : i32
    %ne3A_340 = arith.constant 0 : i32
    %ne3A_341 = arith.cmpi ne, %rem3A_339, %ne3A_340 : i32
    %lt3A_342 = arith.constant 0 : i32
    %lt3A_343 = arith.cmpi slt, %rem3A_339, %lt3A_342 : i32
    %lt3A_344 = arith.constant 0 : i32
    %lt3A_345 = arith.cmpi slt, %select_n3A_338, %lt3A_344 : i32
    %ne3A_346 = arith.xori %lt3A_343, %lt3A_345 : i1
    %and3A_347 = arith.andi %ne3A_346, %ne3A_341 : i1
    %add3A_348 = arith.addi %rem3A_339, %select_n3A_338 : i32
    %select_n3A_349 = arith.select %and3A_347, %add3A_348, %rem3A_339 : i32
    %dma_wait3A_350 = arith.constant 0 : i32
    %dma_wait3A_351 = arith.constant 0 : i32
    %dma_wait3A_352 = arith.constant 0 : i32
    %dma_wait3A_353 = tpu.memref_slice %arg8[%dma_wait3A_351, %dma_wait3A_352] : memref<256x200xf32, #tpu.memory_space<vmem>> -> memref<64x200xf32, #tpu.memory_space<vmem>>
    %dma_wait3A_354 = arith.constant 0 : i32
    %dma_wait3A_355 = arith.constant 0 : i32
    %dma_wait3A_356 = tpu.memref_slice %arg4[%select_n3A_333, %select_n3A_349, %dma_wait3A_354, %dma_wait3A_355] : memref<4x200x64x200xf32, #tpu.memory_space<hbm>> -> memref<1x1x64x200xf32, #tpu.memory_space<hbm>>
    %dma_wait3A_357 = tpu.memref_squeeze %dma_wait3A_356 : memref<1x1x64x200xf32, #tpu.memory_space<hbm>> -> memref<64x200xf32, #tpu.memory_space<hbm>>
    %dma_wait3A_358 = tpu.memref_slice %arg10[%dma_wait3A_350] : memref<4x!tpu.dma_semaphore, #tpu.memory_space<semaphore_mem>> -> memref<1x!tpu.dma_semaphore, #tpu.memory_space<semaphore_mem>>
    %dma_wait3A_359 = tpu.memref_squeeze %dma_wait3A_358 : memref<1x!tpu.dma_semaphore, #tpu.memory_space<semaphore_mem>> -> memref<!tpu.dma_semaphore, #tpu.memory_space<semaphore_mem>>
    %dma_wait3A_360 = arith.constant 0 : i32
    %dma_wait3A_361 = arith.constant 0 : i32
    %dma_wait3A_362 = tpu.memref_slice %arg4[%select_n3A_333, %select_n3A_349, %dma_wait3A_360, %dma_wait3A_361] : memref<4x200x64x200xf32, #tpu.memory_space<hbm>> -> memref<1x1x64x200xf32, #tpu.memory_space<hbm>>
    %dma_wait3A_363 = tpu.memref_squeeze %dma_wait3A_362 : memref<1x1x64x200xf32, #tpu.memory_space<hbm>> -> memref<64x200xf32, #tpu.memory_space<hbm>>
    %dma_wait3A_364 = arith.constant 0 : i32
    %dma_wait3A_365 = arith.constant 0 : i32
    %dma_wait3A_366 = tpu.memref_slice %arg8[%dma_wait3A_364, %dma_wait3A_365] : memref<256x200xf32, #tpu.memory_space<vmem>> -> memref<64x200xf32, #tpu.memory_space<vmem>>
    tpu.wait_dma2 semaphore(%dma_wait3A_359 : memref<!tpu.dma_semaphore, #tpu.memory_space<semaphore_mem>>) src(%dma_wait3A_366 : memref<64x200xf32, #tpu.memory_space<vmem>>) dst(%dma_wait3A_363 : memref<64x200xf32, #tpu.memory_space<hbm>>)
    return
  }
}

module attributes {stable_mosaic.version = 14 : i64} {
  func.func @_tc_v_body(%arg0: i32, %arg1: i32, %arg2: memref<1x40x200xi32, #tpu.memory_space<vmem>>, %arg3: memref<64x66xf32, #tpu.memory_space<vmem>>, %arg4: memref<1x40x64x200xf32, #tpu.memory_space<vmem>>) attributes {dimension_semantics = [#tpu.dimension_semantics<arbitrary>, #tpu.dimension_semantics<arbitrary>], iteration_bounds = array<i64: 4, 5>, scalar_prefetch = 0 : i64, scratch_operands = 0 : i64, tpu.core_type = #tpu.core_type<tc>, window_params = [{transform_indices = @transform_0, window_bounds = array<i64: 1, 40, 200>}, {pipeline_mode = #tpu.pipeline_mode<synchronous>, transform_indices = @transform_1, window_bounds = array<i64: 64, 66>}, {transform_indices = @transform_2, window_bounds = array<i64: 1, 40, 64, 200>}]} {
    %get3A = arith.constant 0 : index
    %get3A_0 = arith.constant 0 : index
    %get3A_1 = vector.load %arg3[%get3A, %get3A_0] : memref<64x66xf32, #tpu.memory_space<vmem>>, vector<64x66xf32>
    %iota3A = tpu.iota {dimensions = array<i32: 0>} : vector<66x200xi32>
    %get3A_2 = arith.constant 0 : index
    %get3A_3 = arith.constant 0 : index
    %get3A_4 = arith.constant 0 : index
    %get3A_5 = vector.load %arg2[%get3A_2, %get3A_3, %get3A_4] : memref<1x40x200xi32, #tpu.memory_space<vmem>>, vector<1x1x200xi32>
    %get3A_6 = vector.shape_cast %get3A_5 : vector<1x1x200xi32> to vector<200xi32>
    %broadcast_in_dim3A = vector.shape_cast %get3A_6 : vector<200xi32> to vector<1x200xi32>
    %eq3A = vector.broadcast %broadcast_in_dim3A : vector<1x200xi32> to vector<66x200xi32>
    %eq3A_7 = arith.cmpi eq, %eq3A, %iota3A : vector<66x200xi32>
    %jit3A = arith.constant 1.000000e+00 : f32
    %jit3A_8 = arith.constant 0.000000e+00 : f32
    %broadcast_in_dim3A_9 = vector.broadcast %jit3A : f32 to vector<66x200xf32>
    %broadcast_in_dim3A_10 = vector.broadcast %jit3A_8 : f32 to vector<66x200xf32>
    %select_n3A = arith.select %eq3A_7, %broadcast_in_dim3A_9, %broadcast_in_dim3A_10 : vector<66x200xi1>, vector<66x200xf32>
    %dot_general3A = arith.constant dense<0.000000e+00> : vector<64x200xf32>
    %dot_general3A_11 = tpu.matmul %get3A_1, %select_n3A, %dot_general3A {dimension_numbers = #tpu.dot_dimension_numbers<[1], [0], [0], [1], [0, 0, 1, 1], [], []>, transpose_lhs_hint = false} : vector<64x66xf32>, vector<66x200xf32>, vector<64x200xf32> -> vector<64x200xf32>
    %swap3A = arith.constant 0 : index
    %swap3A_12 = arith.constant 0 : index
    %swap3A_13 = arith.constant 0 : index
    %swap3A_14 = arith.constant 0 : index
    %swap3A_15 = vector.load %arg4[%swap3A, %swap3A_12, %swap3A_13, %swap3A_14] : memref<1x40x64x200xf32, #tpu.memory_space<vmem>>, vector<1x1x64x200xf32>
    %swap3A_16 = vector.shape_cast %swap3A_15 : vector<1x1x64x200xf32> to vector<64x200xf32>
    %swap3A_17 = vector.shape_cast %dot_general3A_11 : vector<64x200xf32> to vector<1x1x64x200xf32>
    tpu.vector_store %arg4[%swap3A, %swap3A_12, %swap3A_13, %swap3A_14], %swap3A_17 {strides = array<i32>} : memref<1x40x64x200xf32, #tpu.memory_space<vmem>>, vector<1x1x64x200xf32>,
    %get3A_18 = arith.constant 0 : index
    %get3A_19 = arith.constant 1 : index
    %get3A_20 = arith.constant 0 : index
    %get3A_21 = vector.load %arg2[%get3A_18, %get3A_19, %get3A_20] : memref<1x40x200xi32, #tpu.memory_space<vmem>>, vector<1x1x200xi32>
    %get3A_22 = vector.shape_cast %get3A_21 : vector<1x1x200xi32> to vector<200xi32>
    %broadcast_in_dim3A_23 = vector.shape_cast %get3A_22 : vector<200xi32> to vector<1x200xi32>
    %eq3A_24 = vector.broadcast %broadcast_in_dim3A_23 : vector<1x200xi32> to vector<66x200xi32>
    %eq3A_25 = arith.cmpi eq, %eq3A_24, %iota3A : vector<66x200xi32>
    %jit3A_26 = arith.constant 1.000000e+00 : f32
    %jit3A_27 = arith.constant 0.000000e+00 : f32
    %broadcast_in_dim3A_28 = vector.broadcast %jit3A_26 : f32 to vector<66x200xf32>
    %broadcast_in_dim3A_29 = vector.broadcast %jit3A_27 : f32 to vector<66x200xf32>
    %select_n3A_30 = arith.select %eq3A_25, %broadcast_in_dim3A_28, %broadcast_in_dim3A_29 : vector<66x200xi1>, vector<66x200xf32>
    %dot_general3A_31 = arith.constant dense<0.000000e+00> : vector<64x200xf32>
    %dot_general3A_32 = tpu.matmul %get3A_1, %select_n3A_30, %dot_general3A_31 {dimension_numbers = #tpu.dot_dimension_numbers<[1], [0], [0], [1], [0, 0, 1, 1], [], []>, transpose_lhs_hint = false} : vector<64x66xf32>, vector<66x200xf32>, vector<64x200xf32> -> vector<64x200xf32>
    %swap3A_33 = arith.constant 0 : index
    %swap3A_34 = arith.constant 1 : index
    %swap3A_35 = arith.constant 0 : index
    %swap3A_36 = arith.constant 0 : index
    %swap3A_37 = vector.load %arg4[%swap3A_33, %swap3A_34, %swap3A_35, %swap3A_36] : memref<1x40x64x200xf32, #tpu.memory_space<vmem>>, vector<1x1x64x200xf32>
    %swap3A_38 = vector.shape_cast %swap3A_37 : vector<1x1x64x200xf32> to vector<64x200xf32>
    %swap3A_39 = vector.shape_cast %dot_general3A_32 : vector<64x200xf32> to vector<1x1x64x200xf32>
    tpu.vector_store %arg4[%swap3A_33, %swap3A_34, %swap3A_35, %swap3A_36], %swap3A_39 {strides = array<i32>} : memref<1x40x64x200xf32, #tpu.memory_space<vmem>>, vector<1x1x64x200xf32>,
    %get3A_40 = arith.constant 0 : index
    %get3A_41 = arith.constant 2 : index
    %get3A_42 = arith.constant 0 : index
    %get3A_43 = vector.load %arg2[%get3A_40, %get3A_41, %get3A_42] : memref<1x40x200xi32, #tpu.memory_space<vmem>>, vector<1x1x200xi32>
    %get3A_44 = vector.shape_cast %get3A_43 : vector<1x1x200xi32> to vector<200xi32>
    %broadcast_in_dim3A_45 = vector.shape_cast %get3A_44 : vector<200xi32> to vector<1x200xi32>
    %eq3A_46 = vector.broadcast %broadcast_in_dim3A_45 : vector<1x200xi32> to vector<66x200xi32>
    %eq3A_47 = arith.cmpi eq, %eq3A_46, %iota3A : vector<66x200xi32>
    %jit3A_48 = arith.constant 1.000000e+00 : f32
    %jit3A_49 = arith.constant 0.000000e+00 : f32
    %broadcast_in_dim3A_50 = vector.broadcast %jit3A_48 : f32 to vector<66x200xf32>
    %broadcast_in_dim3A_51 = vector.broadcast %jit3A_49 : f32 to vector<66x200xf32>
    %select_n3A_52 = arith.select %eq3A_47, %broadcast_in_dim3A_50, %broadcast_in_dim3A_51 : vector<66x200xi1>, vector<66x200xf32>
    %dot_general3A_53 = arith.constant dense<0.000000e+00> : vector<64x200xf32>
    %dot_general3A_54 = tpu.matmul %get3A_1, %select_n3A_52, %dot_general3A_53 {dimension_numbers = #tpu.dot_dimension_numbers<[1], [0], [0], [1], [0, 0, 1, 1], [], []>, transpose_lhs_hint = false} : vector<64x66xf32>, vector<66x200xf32>, vector<64x200xf32> -> vector<64x200xf32>
    %swap3A_55 = arith.constant 0 : index
    %swap3A_56 = arith.constant 2 : index
    %swap3A_57 = arith.constant 0 : index
    %swap3A_58 = arith.constant 0 : index
    %swap3A_59 = vector.load %arg4[%swap3A_55, %swap3A_56, %swap3A_57, %swap3A_58] : memref<1x40x64x200xf32, #tpu.memory_space<vmem>>, vector<1x1x64x200xf32>
    %swap3A_60 = vector.shape_cast %swap3A_59 : vector<1x1x64x200xf32> to vector<64x200xf32>
    %swap3A_61 = vector.shape_cast %dot_general3A_54 : vector<64x200xf32> to vector<1x1x64x200xf32>
    tpu.vector_store %arg4[%swap3A_55, %swap3A_56, %swap3A_57, %swap3A_58], %swap3A_61 {strides = array<i32>} : memref<1x40x64x200xf32, #tpu.memory_space<vmem>>, vector<1x1x64x200xf32>,
    %get3A_62 = arith.constant 0 : index
    %get3A_63 = arith.constant 3 : index
    %get3A_64 = arith.constant 0 : index
    %get3A_65 = vector.load %arg2[%get3A_62, %get3A_63, %get3A_64] : memref<1x40x200xi32, #tpu.memory_space<vmem>>, vector<1x1x200xi32>
    %get3A_66 = vector.shape_cast %get3A_65 : vector<1x1x200xi32> to vector<200xi32>
    %broadcast_in_dim3A_67 = vector.shape_cast %get3A_66 : vector<200xi32> to vector<1x200xi32>
    %eq3A_68 = vector.broadcast %broadcast_in_dim3A_67 : vector<1x200xi32> to vector<66x200xi32>
    %eq3A_69 = arith.cmpi eq, %eq3A_68, %iota3A : vector<66x200xi32>
    %jit3A_70 = arith.constant 1.000000e+00 : f32
    %jit3A_71 = arith.constant 0.000000e+00 : f32
    %broadcast_in_dim3A_72 = vector.broadcast %jit3A_70 : f32 to vector<66x200xf32>
    %broadcast_in_dim3A_73 = vector.broadcast %jit3A_71 : f32 to vector<66x200xf32>
    %select_n3A_74 = arith.select %eq3A_69, %broadcast_in_dim3A_72, %broadcast_in_dim3A_73 : vector<66x200xi1>, vector<66x200xf32>
    %dot_general3A_75 = arith.constant dense<0.000000e+00> : vector<64x200xf32>
    %dot_general3A_76 = tpu.matmul %get3A_1, %select_n3A_74, %dot_general3A_75 {dimension_numbers = #tpu.dot_dimension_numbers<[1], [0], [0], [1], [0, 0, 1, 1], [], []>, transpose_lhs_hint = false} : vector<64x66xf32>, vector<66x200xf32>, vector<64x200xf32> -> vector<64x200xf32>
    %swap3A_77 = arith.constant 0 : index
    %swap3A_78 = arith.constant 3 : index
    %swap3A_79 = arith.constant 0 : index
    %swap3A_80 = arith.constant 0 : index
    %swap3A_81 = vector.load %arg4[%swap3A_77, %swap3A_78, %swap3A_79, %swap3A_80] : memref<1x40x64x200xf32, #tpu.memory_space<vmem>>, vector<1x1x64x200xf32>
    %swap3A_82 = vector.shape_cast %swap3A_81 : vector<1x1x64x200xf32> to vector<64x200xf32>
    %swap3A_83 = vector.shape_cast %dot_general3A_76 : vector<64x200xf32> to vector<1x1x64x200xf32>
    tpu.vector_store %arg4[%swap3A_77, %swap3A_78, %swap3A_79, %swap3A_80], %swap3A_83 {strides = array<i32>} : memref<1x40x64x200xf32, #tpu.memory_space<vmem>>, vector<1x1x64x200xf32>,
    %get3A_84 = arith.constant 0 : index
    %get3A_85 = arith.constant 4 : index
    %get3A_86 = arith.constant 0 : index
    %get3A_87 = vector.load %arg2[%get3A_84, %get3A_85, %get3A_86] : memref<1x40x200xi32, #tpu.memory_space<vmem>>, vector<1x1x200xi32>
    %get3A_88 = vector.shape_cast %get3A_87 : vector<1x1x200xi32> to vector<200xi32>
    %broadcast_in_dim3A_89 = vector.shape_cast %get3A_88 : vector<200xi32> to vector<1x200xi32>
    %eq3A_90 = vector.broadcast %broadcast_in_dim3A_89 : vector<1x200xi32> to vector<66x200xi32>
    %eq3A_91 = arith.cmpi eq, %eq3A_90, %iota3A : vector<66x200xi32>
    %jit3A_92 = arith.constant 1.000000e+00 : f32
    %jit3A_93 = arith.constant 0.000000e+00 : f32
    %broadcast_in_dim3A_94 = vector.broadcast %jit3A_92 : f32 to vector<66x200xf32>
    %broadcast_in_dim3A_95 = vector.broadcast %jit3A_93 : f32 to vector<66x200xf32>
    %select_n3A_96 = arith.select %eq3A_91, %broadcast_in_dim3A_94, %broadcast_in_dim3A_95 : vector<66x200xi1>, vector<66x200xf32>
    %dot_general3A_97 = arith.constant dense<0.000000e+00> : vector<64x200xf32>
    %dot_general3A_98 = tpu.matmul %get3A_1, %select_n3A_96, %dot_general3A_97 {dimension_numbers = #tpu.dot_dimension_numbers<[1], [0], [0], [1], [0, 0, 1, 1], [], []>, transpose_lhs_hint = false} : vector<64x66xf32>, vector<66x200xf32>, vector<64x200xf32> -> vector<64x200xf32>
    %swap3A_99 = arith.constant 0 : index
    %swap3A_100 = arith.constant 4 : index
    %swap3A_101 = arith.constant 0 : index
    %swap3A_102 = arith.constant 0 : index
    %swap3A_103 = vector.load %arg4[%swap3A_99, %swap3A_100, %swap3A_101, %swap3A_102] : memref<1x40x64x200xf32, #tpu.memory_space<vmem>>, vector<1x1x64x200xf32>
    %swap3A_104 = vector.shape_cast %swap3A_103 : vector<1x1x64x200xf32> to vector<64x200xf32>
    %swap3A_105 = vector.shape_cast %dot_general3A_98 : vector<64x200xf32> to vector<1x1x64x200xf32>
    tpu.vector_store %arg4[%swap3A_99, %swap3A_100, %swap3A_101, %swap3A_102], %swap3A_105 {strides = array<i32>} : memref<1x40x64x200xf32, #tpu.memory_space<vmem>>, vector<1x1x64x200xf32>,
    %get3A_106 = arith.constant 0 : index
    %get3A_107 = arith.constant 5 : index
    %get3A_108 = arith.constant 0 : index
    %get3A_109 = vector.load %arg2[%get3A_106, %get3A_107, %get3A_108] : memref<1x40x200xi32, #tpu.memory_space<vmem>>, vector<1x1x200xi32>
    %get3A_110 = vector.shape_cast %get3A_109 : vector<1x1x200xi32> to vector<200xi32>
    %broadcast_in_dim3A_111 = vector.shape_cast %get3A_110 : vector<200xi32> to vector<1x200xi32>
    %eq3A_112 = vector.broadcast %broadcast_in_dim3A_111 : vector<1x200xi32> to vector<66x200xi32>
    %eq3A_113 = arith.cmpi eq, %eq3A_112, %iota3A : vector<66x200xi32>
    %jit3A_114 = arith.constant 1.000000e+00 : f32
    %jit3A_115 = arith.constant 0.000000e+00 : f32
    %broadcast_in_dim3A_116 = vector.broadcast %jit3A_114 : f32 to vector<66x200xf32>
    %broadcast_in_dim3A_117 = vector.broadcast %jit3A_115 : f32 to vector<66x200xf32>
    %select_n3A_118 = arith.select %eq3A_113, %broadcast_in_dim3A_116, %broadcast_in_dim3A_117 : vector<66x200xi1>, vector<66x200xf32>
    %dot_general3A_119 = arith.constant dense<0.000000e+00> : vector<64x200xf32>
    %dot_general3A_120 = tpu.matmul %get3A_1, %select_n3A_118, %dot_general3A_119 {dimension_numbers = #tpu.dot_dimension_numbers<[1], [0], [0], [1], [0, 0, 1, 1], [], []>, transpose_lhs_hint = false} : vector<64x66xf32>, vector<66x200xf32>, vector<64x200xf32> -> vector<64x200xf32>
    %swap3A_121 = arith.constant 0 : index
    %swap3A_122 = arith.constant 5 : index
    %swap3A_123 = arith.constant 0 : index
    %swap3A_124 = arith.constant 0 : index
    %swap3A_125 = vector.load %arg4[%swap3A_121, %swap3A_122, %swap3A_123, %swap3A_124] : memref<1x40x64x200xf32, #tpu.memory_space<vmem>>, vector<1x1x64x200xf32>
    %swap3A_126 = vector.shape_cast %swap3A_125 : vector<1x1x64x200xf32> to vector<64x200xf32>
    %swap3A_127 = vector.shape_cast %dot_general3A_120 : vector<64x200xf32> to vector<1x1x64x200xf32>
    tpu.vector_store %arg4[%swap3A_121, %swap3A_122, %swap3A_123, %swap3A_124], %swap3A_127 {strides = array<i32>} : memref<1x40x64x200xf32, #tpu.memory_space<vmem>>, vector<1x1x64x200xf32>,
    %get3A_128 = arith.constant 0 : index
    %get3A_129 = arith.constant 6 : index
    %get3A_130 = arith.constant 0 : index
    %get3A_131 = vector.load %arg2[%get3A_128, %get3A_129, %get3A_130] : memref<1x40x200xi32, #tpu.memory_space<vmem>>, vector<1x1x200xi32>
    %get3A_132 = vector.shape_cast %get3A_131 : vector<1x1x200xi32> to vector<200xi32>
    %broadcast_in_dim3A_133 = vector.shape_cast %get3A_132 : vector<200xi32> to vector<1x200xi32>
    %eq3A_134 = vector.broadcast %broadcast_in_dim3A_133 : vector<1x200xi32> to vector<66x200xi32>
    %eq3A_135 = arith.cmpi eq, %eq3A_134, %iota3A : vector<66x200xi32>
    %jit3A_136 = arith.constant 1.000000e+00 : f32
    %jit3A_137 = arith.constant 0.000000e+00 : f32
    %broadcast_in_dim3A_138 = vector.broadcast %jit3A_136 : f32 to vector<66x200xf32>
    %broadcast_in_dim3A_139 = vector.broadcast %jit3A_137 : f32 to vector<66x200xf32>
    %select_n3A_140 = arith.select %eq3A_135, %broadcast_in_dim3A_138, %broadcast_in_dim3A_139 : vector<66x200xi1>, vector<66x200xf32>
    %dot_general3A_141 = arith.constant dense<0.000000e+00> : vector<64x200xf32>
    %dot_general3A_142 = tpu.matmul %get3A_1, %select_n3A_140, %dot_general3A_141 {dimension_numbers = #tpu.dot_dimension_numbers<[1], [0], [0], [1], [0, 0, 1, 1], [], []>, transpose_lhs_hint = false} : vector<64x66xf32>, vector<66x200xf32>, vector<64x200xf32> -> vector<64x200xf32>
    %swap3A_143 = arith.constant 0 : index
    %swap3A_144 = arith.constant 6 : index
    %swap3A_145 = arith.constant 0 : index
    %swap3A_146 = arith.constant 0 : index
    %swap3A_147 = vector.load %arg4[%swap3A_143, %swap3A_144, %swap3A_145, %swap3A_146] : memref<1x40x64x200xf32, #tpu.memory_space<vmem>>, vector<1x1x64x200xf32>
    %swap3A_148 = vector.shape_cast %swap3A_147 : vector<1x1x64x200xf32> to vector<64x200xf32>
    %swap3A_149 = vector.shape_cast %dot_general3A_142 : vector<64x200xf32> to vector<1x1x64x200xf32>
    tpu.vector_store %arg4[%swap3A_143, %swap3A_144, %swap3A_145, %swap3A_146], %swap3A_149 {strides = array<i32>} : memref<1x40x64x200xf32, #tpu.memory_space<vmem>>, vector<1x1x64x200xf32>,
    %get3A_150 = arith.constant 0 : index
    %get3A_151 = arith.constant 7 : index
    %get3A_152 = arith.constant 0 : index
    %get3A_153 = vector.load %arg2[%get3A_150, %get3A_151, %get3A_152] : memref<1x40x200xi32, #tpu.memory_space<vmem>>, vector<1x1x200xi32>
    %get3A_154 = vector.shape_cast %get3A_153 : vector<1x1x200xi32> to vector<200xi32>
    %broadcast_in_dim3A_155 = vector.shape_cast %get3A_154 : vector<200xi32> to vector<1x200xi32>
    %eq3A_156 = vector.broadcast %broadcast_in_dim3A_155 : vector<1x200xi32> to vector<66x200xi32>
    %eq3A_157 = arith.cmpi eq, %eq3A_156, %iota3A : vector<66x200xi32>
    %jit3A_158 = arith.constant 1.000000e+00 : f32
    %jit3A_159 = arith.constant 0.000000e+00 : f32
    %broadcast_in_dim3A_160 = vector.broadcast %jit3A_158 : f32 to vector<66x200xf32>
    %broadcast_in_dim3A_161 = vector.broadcast %jit3A_159 : f32 to vector<66x200xf32>
    %select_n3A_162 = arith.select %eq3A_157, %broadcast_in_dim3A_160, %broadcast_in_dim3A_161 : vector<66x200xi1>, vector<66x200xf32>
    %dot_general3A_163 = arith.constant dense<0.000000e+00> : vector<64x200xf32>
    %dot_general3A_164 = tpu.matmul %get3A_1, %select_n3A_162, %dot_general3A_163 {dimension_numbers = #tpu.dot_dimension_numbers<[1], [0], [0], [1], [0, 0, 1, 1], [], []>, transpose_lhs_hint = false} : vector<64x66xf32>, vector<66x200xf32>, vector<64x200xf32> -> vector<64x200xf32>
    %swap3A_165 = arith.constant 0 : index
    %swap3A_166 = arith.constant 7 : index
    %swap3A_167 = arith.constant 0 : index
    %swap3A_168 = arith.constant 0 : index
    %swap3A_169 = vector.load %arg4[%swap3A_165, %swap3A_166, %swap3A_167, %swap3A_168] : memref<1x40x64x200xf32, #tpu.memory_space<vmem>>, vector<1x1x64x200xf32>
    %swap3A_170 = vector.shape_cast %swap3A_169 : vector<1x1x64x200xf32> to vector<64x200xf32>
    %swap3A_171 = vector.shape_cast %dot_general3A_164 : vector<64x200xf32> to vector<1x1x64x200xf32>
    tpu.vector_store %arg4[%swap3A_165, %swap3A_166, %swap3A_167, %swap3A_168], %swap3A_171 {strides = array<i32>} : memref<1x40x64x200xf32, #tpu.memory_space<vmem>>, vector<1x1x64x200xf32>,
    %get3A_172 = arith.constant 0 : index
    %get3A_173 = arith.constant 8 : index
    %get3A_174 = arith.constant 0 : index
    %get3A_175 = vector.load %arg2[%get3A_172, %get3A_173, %get3A_174] : memref<1x40x200xi32, #tpu.memory_space<vmem>>, vector<1x1x200xi32>
    %get3A_176 = vector.shape_cast %get3A_175 : vector<1x1x200xi32> to vector<200xi32>
    %broadcast_in_dim3A_177 = vector.shape_cast %get3A_176 : vector<200xi32> to vector<1x200xi32>
    %eq3A_178 = vector.broadcast %broadcast_in_dim3A_177 : vector<1x200xi32> to vector<66x200xi32>
    %eq3A_179 = arith.cmpi eq, %eq3A_178, %iota3A : vector<66x200xi32>
    %jit3A_180 = arith.constant 1.000000e+00 : f32
    %jit3A_181 = arith.constant 0.000000e+00 : f32
    %broadcast_in_dim3A_182 = vector.broadcast %jit3A_180 : f32 to vector<66x200xf32>
    %broadcast_in_dim3A_183 = vector.broadcast %jit3A_181 : f32 to vector<66x200xf32>
    %select_n3A_184 = arith.select %eq3A_179, %broadcast_in_dim3A_182, %broadcast_in_dim3A_183 : vector<66x200xi1>, vector<66x200xf32>
    %dot_general3A_185 = arith.constant dense<0.000000e+00> : vector<64x200xf32>
    %dot_general3A_186 = tpu.matmul %get3A_1, %select_n3A_184, %dot_general3A_185 {dimension_numbers = #tpu.dot_dimension_numbers<[1], [0], [0], [1], [0, 0, 1, 1], [], []>, transpose_lhs_hint = false} : vector<64x66xf32>, vector<66x200xf32>, vector<64x200xf32> -> vector<64x200xf32>
    %swap3A_187 = arith.constant 0 : index
    %swap3A_188 = arith.constant 8 : index
    %swap3A_189 = arith.constant 0 : index
    %swap3A_190 = arith.constant 0 : index
    %swap3A_191 = vector.load %arg4[%swap3A_187, %swap3A_188, %swap3A_189, %swap3A_190] : memref<1x40x64x200xf32, #tpu.memory_space<vmem>>, vector<1x1x64x200xf32>
    %swap3A_192 = vector.shape_cast %swap3A_191 : vector<1x1x64x200xf32> to vector<64x200xf32>
    %swap3A_193 = vector.shape_cast %dot_general3A_186 : vector<64x200xf32> to vector<1x1x64x200xf32>
    tpu.vector_store %arg4[%swap3A_187, %swap3A_188, %swap3A_189, %swap3A_190], %swap3A_193 {strides = array<i32>} : memref<1x40x64x200xf32, #tpu.memory_space<vmem>>, vector<1x1x64x200xf32>,
    %get3A_194 = arith.constant 0 : index
    %get3A_195 = arith.constant 9 : index
    %get3A_196 = arith.constant 0 : index
    %get3A_197 = vector.load %arg2[%get3A_194, %get3A_195, %get3A_196] : memref<1x40x200xi32, #tpu.memory_space<vmem>>, vector<1x1x200xi32>
    %get3A_198 = vector.shape_cast %get3A_197 : vector<1x1x200xi32> to vector<200xi32>
    %broadcast_in_dim3A_199 = vector.shape_cast %get3A_198 : vector<200xi32> to vector<1x200xi32>
    %eq3A_200 = vector.broadcast %broadcast_in_dim3A_199 : vector<1x200xi32> to vector<66x200xi32>
    %eq3A_201 = arith.cmpi eq, %eq3A_200, %iota3A : vector<66x200xi32>
    %jit3A_202 = arith.constant 1.000000e+00 : f32
    %jit3A_203 = arith.constant 0.000000e+00 : f32
    %broadcast_in_dim3A_204 = vector.broadcast %jit3A_202 : f32 to vector<66x200xf32>
    %broadcast_in_dim3A_205 = vector.broadcast %jit3A_203 : f32 to vector<66x200xf32>
    %select_n3A_206 = arith.select %eq3A_201, %broadcast_in_dim3A_204, %broadcast_in_dim3A_205 : vector<66x200xi1>, vector<66x200xf32>
    %dot_general3A_207 = arith.constant dense<0.000000e+00> : vector<64x200xf32>
    %dot_general3A_208 = tpu.matmul %get3A_1, %select_n3A_206, %dot_general3A_207 {dimension_numbers = #tpu.dot_dimension_numbers<[1], [0], [0], [1], [0, 0, 1, 1], [], []>, transpose_lhs_hint = false} : vector<64x66xf32>, vector<66x200xf32>, vector<64x200xf32> -> vector<64x200xf32>
    %swap3A_209 = arith.constant 0 : index
    %swap3A_210 = arith.constant 9 : index
    %swap3A_211 = arith.constant 0 : index
    %swap3A_212 = arith.constant 0 : index
    %swap3A_213 = vector.load %arg4[%swap3A_209, %swap3A_210, %swap3A_211, %swap3A_212] : memref<1x40x64x200xf32, #tpu.memory_space<vmem>>, vector<1x1x64x200xf32>
    %swap3A_214 = vector.shape_cast %swap3A_213 : vector<1x1x64x200xf32> to vector<64x200xf32>
    %swap3A_215 = vector.shape_cast %dot_general3A_208 : vector<64x200xf32> to vector<1x1x64x200xf32>
    tpu.vector_store %arg4[%swap3A_209, %swap3A_210, %swap3A_211, %swap3A_212], %swap3A_215 {strides = array<i32>} : memref<1x40x64x200xf32, #tpu.memory_space<vmem>>, vector<1x1x64x200xf32>,
    %get3A_216 = arith.constant 0 : index
    %get3A_217 = arith.constant 10 : index
    %get3A_218 = arith.constant 0 : index
    %get3A_219 = vector.load %arg2[%get3A_216, %get3A_217, %get3A_218] : memref<1x40x200xi32, #tpu.memory_space<vmem>>, vector<1x1x200xi32>
    %get3A_220 = vector.shape_cast %get3A_219 : vector<1x1x200xi32> to vector<200xi32>
    %broadcast_in_dim3A_221 = vector.shape_cast %get3A_220 : vector<200xi32> to vector<1x200xi32>
    %eq3A_222 = vector.broadcast %broadcast_in_dim3A_221 : vector<1x200xi32> to vector<66x200xi32>
    %eq3A_223 = arith.cmpi eq, %eq3A_222, %iota3A : vector<66x200xi32>
    %jit3A_224 = arith.constant 1.000000e+00 : f32
    %jit3A_225 = arith.constant 0.000000e+00 : f32
    %broadcast_in_dim3A_226 = vector.broadcast %jit3A_224 : f32 to vector<66x200xf32>
    %broadcast_in_dim3A_227 = vector.broadcast %jit3A_225 : f32 to vector<66x200xf32>
    %select_n3A_228 = arith.select %eq3A_223, %broadcast_in_dim3A_226, %broadcast_in_dim3A_227 : vector<66x200xi1>, vector<66x200xf32>
    %dot_general3A_229 = arith.constant dense<0.000000e+00> : vector<64x200xf32>
    %dot_general3A_230 = tpu.matmul %get3A_1, %select_n3A_228, %dot_general3A_229 {dimension_numbers = #tpu.dot_dimension_numbers<[1], [0], [0], [1], [0, 0, 1, 1], [], []>, transpose_lhs_hint = false} : vector<64x66xf32>, vector<66x200xf32>, vector<64x200xf32> -> vector<64x200xf32>
    %swap3A_231 = arith.constant 0 : index
    %swap3A_232 = arith.constant 10 : index
    %swap3A_233 = arith.constant 0 : index
    %swap3A_234 = arith.constant 0 : index
    %swap3A_235 = vector.load %arg4[%swap3A_231, %swap3A_232, %swap3A_233, %swap3A_234] : memref<1x40x64x200xf32, #tpu.memory_space<vmem>>, vector<1x1x64x200xf32>
    %swap3A_236 = vector.shape_cast %swap3A_235 : vector<1x1x64x200xf32> to vector<64x200xf32>
    %swap3A_237 = vector.shape_cast %dot_general3A_230 : vector<64x200xf32> to vector<1x1x64x200xf32>
    tpu.vector_store %arg4[%swap3A_231, %swap3A_232, %swap3A_233, %swap3A_234], %swap3A_237 {strides = array<i32>} : memref<1x40x64x200xf32, #tpu.memory_space<vmem>>, vector<1x1x64x200xf32>,
    %get3A_238 = arith.constant 0 : index
    %get3A_239 = arith.constant 11 : index
    %get3A_240 = arith.constant 0 : index
    %get3A_241 = vector.load %arg2[%get3A_238, %get3A_239, %get3A_240] : memref<1x40x200xi32, #tpu.memory_space<vmem>>, vector<1x1x200xi32>
    %get3A_242 = vector.shape_cast %get3A_241 : vector<1x1x200xi32> to vector<200xi32>
    %broadcast_in_dim3A_243 = vector.shape_cast %get3A_242 : vector<200xi32> to vector<1x200xi32>
    %eq3A_244 = vector.broadcast %broadcast_in_dim3A_243 : vector<1x200xi32> to vector<66x200xi32>
    %eq3A_245 = arith.cmpi eq, %eq3A_244, %iota3A : vector<66x200xi32>
    %jit3A_246 = arith.constant 1.000000e+00 : f32
    %jit3A_247 = arith.constant 0.000000e+00 : f32
    %broadcast_in_dim3A_248 = vector.broadcast %jit3A_246 : f32 to vector<66x200xf32>
    %broadcast_in_dim3A_249 = vector.broadcast %jit3A_247 : f32 to vector<66x200xf32>
    %select_n3A_250 = arith.select %eq3A_245, %broadcast_in_dim3A_248, %broadcast_in_dim3A_249 : vector<66x200xi1>, vector<66x200xf32>
    %dot_general3A_251 = arith.constant dense<0.000000e+00> : vector<64x200xf32>
    %dot_general3A_252 = tpu.matmul %get3A_1, %select_n3A_250, %dot_general3A_251 {dimension_numbers = #tpu.dot_dimension_numbers<[1], [0], [0], [1], [0, 0, 1, 1], [], []>, transpose_lhs_hint = false} : vector<64x66xf32>, vector<66x200xf32>, vector<64x200xf32> -> vector<64x200xf32>
    %swap3A_253 = arith.constant 0 : index
    %swap3A_254 = arith.constant 11 : index
    %swap3A_255 = arith.constant 0 : index
    %swap3A_256 = arith.constant 0 : index
    %swap3A_257 = vector.load %arg4[%swap3A_253, %swap3A_254, %swap3A_255, %swap3A_256] : memref<1x40x64x200xf32, #tpu.memory_space<vmem>>, vector<1x1x64x200xf32>
    %swap3A_258 = vector.shape_cast %swap3A_257 : vector<1x1x64x200xf32> to vector<64x200xf32>
    %swap3A_259 = vector.shape_cast %dot_general3A_252 : vector<64x200xf32> to vector<1x1x64x200xf32>
    tpu.vector_store %arg4[%swap3A_253, %swap3A_254, %swap3A_255, %swap3A_256], %swap3A_259 {strides = array<i32>} : memref<1x40x64x200xf32, #tpu.memory_space<vmem>>, vector<1x1x64x200xf32>,
    %get3A_260 = arith.constant 0 : index
    %get3A_261 = arith.constant 12 : index
    %get3A_262 = arith.constant 0 : index
    %get3A_263 = vector.load %arg2[%get3A_260, %get3A_261, %get3A_262] : memref<1x40x200xi32, #tpu.memory_space<vmem>>, vector<1x1x200xi32>
    %get3A_264 = vector.shape_cast %get3A_263 : vector<1x1x200xi32> to vector<200xi32>
    %broadcast_in_dim3A_265 = vector.shape_cast %get3A_264 : vector<200xi32> to vector<1x200xi32>
    %eq3A_266 = vector.broadcast %broadcast_in_dim3A_265 : vector<1x200xi32> to vector<66x200xi32>
    %eq3A_267 = arith.cmpi eq, %eq3A_266, %iota3A : vector<66x200xi32>
    %jit3A_268 = arith.constant 1.000000e+00 : f32
    %jit3A_269 = arith.constant 0.000000e+00 : f32
    %broadcast_in_dim3A_270 = vector.broadcast %jit3A_268 : f32 to vector<66x200xf32>
    %broadcast_in_dim3A_271 = vector.broadcast %jit3A_269 : f32 to vector<66x200xf32>
    %select_n3A_272 = arith.select %eq3A_267, %broadcast_in_dim3A_270, %broadcast_in_dim3A_271 : vector<66x200xi1>, vector<66x200xf32>
    %dot_general3A_273 = arith.constant dense<0.000000e+00> : vector<64x200xf32>
    %dot_general3A_274 = tpu.matmul %get3A_1, %select_n3A_272, %dot_general3A_273 {dimension_numbers = #tpu.dot_dimension_numbers<[1], [0], [0], [1], [0, 0, 1, 1], [], []>, transpose_lhs_hint = false} : vector<64x66xf32>, vector<66x200xf32>, vector<64x200xf32> -> vector<64x200xf32>
    %swap3A_275 = arith.constant 0 : index
    %swap3A_276 = arith.constant 12 : index
    %swap3A_277 = arith.constant 0 : index
    %swap3A_278 = arith.constant 0 : index
    %swap3A_279 = vector.load %arg4[%swap3A_275, %swap3A_276, %swap3A_277, %swap3A_278] : memref<1x40x64x200xf32, #tpu.memory_space<vmem>>, vector<1x1x64x200xf32>
    %swap3A_280 = vector.shape_cast %swap3A_279 : vector<1x1x64x200xf32> to vector<64x200xf32>
    %swap3A_281 = vector.shape_cast %dot_general3A_274 : vector<64x200xf32> to vector<1x1x64x200xf32>
    tpu.vector_store %arg4[%swap3A_275, %swap3A_276, %swap3A_277, %swap3A_278], %swap3A_281 {strides = array<i32>} : memref<1x40x64x200xf32, #tpu.memory_space<vmem>>, vector<1x1x64x200xf32>,
    %get3A_282 = arith.constant 0 : index
    %get3A_283 = arith.constant 13 : index
    %get3A_284 = arith.constant 0 : index
    %get3A_285 = vector.load %arg2[%get3A_282, %get3A_283, %get3A_284] : memref<1x40x200xi32, #tpu.memory_space<vmem>>, vector<1x1x200xi32>
    %get3A_286 = vector.shape_cast %get3A_285 : vector<1x1x200xi32> to vector<200xi32>
    %broadcast_in_dim3A_287 = vector.shape_cast %get3A_286 : vector<200xi32> to vector<1x200xi32>
    %eq3A_288 = vector.broadcast %broadcast_in_dim3A_287 : vector<1x200xi32> to vector<66x200xi32>
    %eq3A_289 = arith.cmpi eq, %eq3A_288, %iota3A : vector<66x200xi32>
    %jit3A_290 = arith.constant 1.000000e+00 : f32
    %jit3A_291 = arith.constant 0.000000e+00 : f32
    %broadcast_in_dim3A_292 = vector.broadcast %jit3A_290 : f32 to vector<66x200xf32>
    %broadcast_in_dim3A_293 = vector.broadcast %jit3A_291 : f32 to vector<66x200xf32>
    %select_n3A_294 = arith.select %eq3A_289, %broadcast_in_dim3A_292, %broadcast_in_dim3A_293 : vector<66x200xi1>, vector<66x200xf32>
    %dot_general3A_295 = arith.constant dense<0.000000e+00> : vector<64x200xf32>
    %dot_general3A_296 = tpu.matmul %get3A_1, %select_n3A_294, %dot_general3A_295 {dimension_numbers = #tpu.dot_dimension_numbers<[1], [0], [0], [1], [0, 0, 1, 1], [], []>, transpose_lhs_hint = false} : vector<64x66xf32>, vector<66x200xf32>, vector<64x200xf32> -> vector<64x200xf32>
    %swap3A_297 = arith.constant 0 : index
    %swap3A_298 = arith.constant 13 : index
    %swap3A_299 = arith.constant 0 : index
    %swap3A_300 = arith.constant 0 : index
    %swap3A_301 = vector.load %arg4[%swap3A_297, %swap3A_298, %swap3A_299, %swap3A_300] : memref<1x40x64x200xf32, #tpu.memory_space<vmem>>, vector<1x1x64x200xf32>
    %swap3A_302 = vector.shape_cast %swap3A_301 : vector<1x1x64x200xf32> to vector<64x200xf32>
    %swap3A_303 = vector.shape_cast %dot_general3A_296 : vector<64x200xf32> to vector<1x1x64x200xf32>
    tpu.vector_store %arg4[%swap3A_297, %swap3A_298, %swap3A_299, %swap3A_300], %swap3A_303 {strides = array<i32>} : memref<1x40x64x200xf32, #tpu.memory_space<vmem>>, vector<1x1x64x200xf32>,
    %get3A_304 = arith.constant 0 : index
    %get3A_305 = arith.constant 14 : index
    %get3A_306 = arith.constant 0 : index
    %get3A_307 = vector.load %arg2[%get3A_304, %get3A_305, %get3A_306] : memref<1x40x200xi32, #tpu.memory_space<vmem>>, vector<1x1x200xi32>
    %get3A_308 = vector.shape_cast %get3A_307 : vector<1x1x200xi32> to vector<200xi32>
    %broadcast_in_dim3A_309 = vector.shape_cast %get3A_308 : vector<200xi32> to vector<1x200xi32>
    %eq3A_310 = vector.broadcast %broadcast_in_dim3A_309 : vector<1x200xi32> to vector<66x200xi32>
    %eq3A_311 = arith.cmpi eq, %eq3A_310, %iota3A : vector<66x200xi32>
    %jit3A_312 = arith.constant 1.000000e+00 : f32
    %jit3A_313 = arith.constant 0.000000e+00 : f32
    %broadcast_in_dim3A_314 = vector.broadcast %jit3A_312 : f32 to vector<66x200xf32>
    %broadcast_in_dim3A_315 = vector.broadcast %jit3A_313 : f32 to vector<66x200xf32>
    %select_n3A_316 = arith.select %eq3A_311, %broadcast_in_dim3A_314, %broadcast_in_dim3A_315 : vector<66x200xi1>, vector<66x200xf32>
    %dot_general3A_317 = arith.constant dense<0.000000e+00> : vector<64x200xf32>
    %dot_general3A_318 = tpu.matmul %get3A_1, %select_n3A_316, %dot_general3A_317 {dimension_numbers = #tpu.dot_dimension_numbers<[1], [0], [0], [1], [0, 0, 1, 1], [], []>, transpose_lhs_hint = false} : vector<64x66xf32>, vector<66x200xf32>, vector<64x200xf32> -> vector<64x200xf32>
    %swap3A_319 = arith.constant 0 : index
    %swap3A_320 = arith.constant 14 : index
    %swap3A_321 = arith.constant 0 : index
    %swap3A_322 = arith.constant 0 : index
    %swap3A_323 = vector.load %arg4[%swap3A_319, %swap3A_320, %swap3A_321, %swap3A_322] : memref<1x40x64x200xf32, #tpu.memory_space<vmem>>, vector<1x1x64x200xf32>
    %swap3A_324 = vector.shape_cast %swap3A_323 : vector<1x1x64x200xf32> to vector<64x200xf32>
    %swap3A_325 = vector.shape_cast %dot_general3A_318 : vector<64x200xf32> to vector<1x1x64x200xf32>
    tpu.vector_store %arg4[%swap3A_319, %swap3A_320, %swap3A_321, %swap3A_322], %swap3A_325 {strides = array<i32>} : memref<1x40x64x200xf32, #tpu.memory_space<vmem>>, vector<1x1x64x200xf32>,
    %get3A_326 = arith.constant 0 : index
    %get3A_327 = arith.constant 15 : index
    %get3A_328 = arith.constant 0 : index
    %get3A_329 = vector.load %arg2[%get3A_326, %get3A_327, %get3A_328] : memref<1x40x200xi32, #tpu.memory_space<vmem>>, vector<1x1x200xi32>
    %get3A_330 = vector.shape_cast %get3A_329 : vector<1x1x200xi32> to vector<200xi32>
    %broadcast_in_dim3A_331 = vector.shape_cast %get3A_330 : vector<200xi32> to vector<1x200xi32>
    %eq3A_332 = vector.broadcast %broadcast_in_dim3A_331 : vector<1x200xi32> to vector<66x200xi32>
    %eq3A_333 = arith.cmpi eq, %eq3A_332, %iota3A : vector<66x200xi32>
    %jit3A_334 = arith.constant 1.000000e+00 : f32
    %jit3A_335 = arith.constant 0.000000e+00 : f32
    %broadcast_in_dim3A_336 = vector.broadcast %jit3A_334 : f32 to vector<66x200xf32>
    %broadcast_in_dim3A_337 = vector.broadcast %jit3A_335 : f32 to vector<66x200xf32>
    %select_n3A_338 = arith.select %eq3A_333, %broadcast_in_dim3A_336, %broadcast_in_dim3A_337 : vector<66x200xi1>, vector<66x200xf32>
    %dot_general3A_339 = arith.constant dense<0.000000e+00> : vector<64x200xf32>
    %dot_general3A_340 = tpu.matmul %get3A_1, %select_n3A_338, %dot_general3A_339 {dimension_numbers = #tpu.dot_dimension_numbers<[1], [0], [0], [1], [0, 0, 1, 1], [], []>, transpose_lhs_hint = false} : vector<64x66xf32>, vector<66x200xf32>, vector<64x200xf32> -> vector<64x200xf32>
    %swap3A_341 = arith.constant 0 : index
    %swap3A_342 = arith.constant 15 : index
    %swap3A_343 = arith.constant 0 : index
    %swap3A_344 = arith.constant 0 : index
    %swap3A_345 = vector.load %arg4[%swap3A_341, %swap3A_342, %swap3A_343, %swap3A_344] : memref<1x40x64x200xf32, #tpu.memory_space<vmem>>, vector<1x1x64x200xf32>
    %swap3A_346 = vector.shape_cast %swap3A_345 : vector<1x1x64x200xf32> to vector<64x200xf32>
    %swap3A_347 = vector.shape_cast %dot_general3A_340 : vector<64x200xf32> to vector<1x1x64x200xf32>
    tpu.vector_store %arg4[%swap3A_341, %swap3A_342, %swap3A_343, %swap3A_344], %swap3A_347 {strides = array<i32>} : memref<1x40x64x200xf32, #tpu.memory_space<vmem>>, vector<1x1x64x200xf32>,
    %get3A_348 = arith.constant 0 : index
    %get3A_349 = arith.constant 16 : index
    %get3A_350 = arith.constant 0 : index
    %get3A_351 = vector.load %arg2[%get3A_348, %get3A_349, %get3A_350] : memref<1x40x200xi32, #tpu.memory_space<vmem>>, vector<1x1x200xi32>
    %get3A_352 = vector.shape_cast %get3A_351 : vector<1x1x200xi32> to vector<200xi32>
    %broadcast_in_dim3A_353 = vector.shape_cast %get3A_352 : vector<200xi32> to vector<1x200xi32>
    %eq3A_354 = vector.broadcast %broadcast_in_dim3A_353 : vector<1x200xi32> to vector<66x200xi32>
    %eq3A_355 = arith.cmpi eq, %eq3A_354, %iota3A : vector<66x200xi32>
    %jit3A_356 = arith.constant 1.000000e+00 : f32
    %jit3A_357 = arith.constant 0.000000e+00 : f32
    %broadcast_in_dim3A_358 = vector.broadcast %jit3A_356 : f32 to vector<66x200xf32>
    %broadcast_in_dim3A_359 = vector.broadcast %jit3A_357 : f32 to vector<66x200xf32>
    %select_n3A_360 = arith.select %eq3A_355, %broadcast_in_dim3A_358, %broadcast_in_dim3A_359 : vector<66x200xi1>, vector<66x200xf32>
    %dot_general3A_361 = arith.constant dense<0.000000e+00> : vector<64x200xf32>
    %dot_general3A_362 = tpu.matmul %get3A_1, %select_n3A_360, %dot_general3A_361 {dimension_numbers = #tpu.dot_dimension_numbers<[1], [0], [0], [1], [0, 0, 1, 1], [], []>, transpose_lhs_hint = false} : vector<64x66xf32>, vector<66x200xf32>, vector<64x200xf32> -> vector<64x200xf32>
    %swap3A_363 = arith.constant 0 : index
    %swap3A_364 = arith.constant 16 : index
    %swap3A_365 = arith.constant 0 : index
    %swap3A_366 = arith.constant 0 : index
    %swap3A_367 = vector.load %arg4[%swap3A_363, %swap3A_364, %swap3A_365, %swap3A_366] : memref<1x40x64x200xf32, #tpu.memory_space<vmem>>, vector<1x1x64x200xf32>
    %swap3A_368 = vector.shape_cast %swap3A_367 : vector<1x1x64x200xf32> to vector<64x200xf32>
    %swap3A_369 = vector.shape_cast %dot_general3A_362 : vector<64x200xf32> to vector<1x1x64x200xf32>
    tpu.vector_store %arg4[%swap3A_363, %swap3A_364, %swap3A_365, %swap3A_366], %swap3A_369 {strides = array<i32>} : memref<1x40x64x200xf32, #tpu.memory_space<vmem>>, vector<1x1x64x200xf32>,
    %get3A_370 = arith.constant 0 : index
    %get3A_371 = arith.constant 17 : index
    %get3A_372 = arith.constant 0 : index
    %get3A_373 = vector.load %arg2[%get3A_370, %get3A_371, %get3A_372] : memref<1x40x200xi32, #tpu.memory_space<vmem>>, vector<1x1x200xi32>
    %get3A_374 = vector.shape_cast %get3A_373 : vector<1x1x200xi32> to vector<200xi32>
    %broadcast_in_dim3A_375 = vector.shape_cast %get3A_374 : vector<200xi32> to vector<1x200xi32>
    %eq3A_376 = vector.broadcast %broadcast_in_dim3A_375 : vector<1x200xi32> to vector<66x200xi32>
    %eq3A_377 = arith.cmpi eq, %eq3A_376, %iota3A : vector<66x200xi32>
    %jit3A_378 = arith.constant 1.000000e+00 : f32
    %jit3A_379 = arith.constant 0.000000e+00 : f32
    %broadcast_in_dim3A_380 = vector.broadcast %jit3A_378 : f32 to vector<66x200xf32>
    %broadcast_in_dim3A_381 = vector.broadcast %jit3A_379 : f32 to vector<66x200xf32>
    %select_n3A_382 = arith.select %eq3A_377, %broadcast_in_dim3A_380, %broadcast_in_dim3A_381 : vector<66x200xi1>, vector<66x200xf32>
    %dot_general3A_383 = arith.constant dense<0.000000e+00> : vector<64x200xf32>
    %dot_general3A_384 = tpu.matmul %get3A_1, %select_n3A_382, %dot_general3A_383 {dimension_numbers = #tpu.dot_dimension_numbers<[1], [0], [0], [1], [0, 0, 1, 1], [], []>, transpose_lhs_hint = false} : vector<64x66xf32>, vector<66x200xf32>, vector<64x200xf32> -> vector<64x200xf32>
    %swap3A_385 = arith.constant 0 : index
    %swap3A_386 = arith.constant 17 : index
    %swap3A_387 = arith.constant 0 : index
    %swap3A_388 = arith.constant 0 : index
    %swap3A_389 = vector.load %arg4[%swap3A_385, %swap3A_386, %swap3A_387, %swap3A_388] : memref<1x40x64x200xf32, #tpu.memory_space<vmem>>, vector<1x1x64x200xf32>
    %swap3A_390 = vector.shape_cast %swap3A_389 : vector<1x1x64x200xf32> to vector<64x200xf32>
    %swap3A_391 = vector.shape_cast %dot_general3A_384 : vector<64x200xf32> to vector<1x1x64x200xf32>
    tpu.vector_store %arg4[%swap3A_385, %swap3A_386, %swap3A_387, %swap3A_388], %swap3A_391 {strides = array<i32>} : memref<1x40x64x200xf32, #tpu.memory_space<vmem>>, vector<1x1x64x200xf32>,
    %get3A_392 = arith.constant 0 : index
    %get3A_393 = arith.constant 18 : index
    %get3A_394 = arith.constant 0 : index
    %get3A_395 = vector.load %arg2[%get3A_392, %get3A_393, %get3A_394] : memref<1x40x200xi32, #tpu.memory_space<vmem>>, vector<1x1x200xi32>
    %get3A_396 = vector.shape_cast %get3A_395 : vector<1x1x200xi32> to vector<200xi32>
    %broadcast_in_dim3A_397 = vector.shape_cast %get3A_396 : vector<200xi32> to vector<1x200xi32>
    %eq3A_398 = vector.broadcast %broadcast_in_dim3A_397 : vector<1x200xi32> to vector<66x200xi32>
    %eq3A_399 = arith.cmpi eq, %eq3A_398, %iota3A : vector<66x200xi32>
    %jit3A_400 = arith.constant 1.000000e+00 : f32
    %jit3A_401 = arith.constant 0.000000e+00 : f32
    %broadcast_in_dim3A_402 = vector.broadcast %jit3A_400 : f32 to vector<66x200xf32>
    %broadcast_in_dim3A_403 = vector.broadcast %jit3A_401 : f32 to vector<66x200xf32>
    %select_n3A_404 = arith.select %eq3A_399, %broadcast_in_dim3A_402, %broadcast_in_dim3A_403 : vector<66x200xi1>, vector<66x200xf32>
    %dot_general3A_405 = arith.constant dense<0.000000e+00> : vector<64x200xf32>
    %dot_general3A_406 = tpu.matmul %get3A_1, %select_n3A_404, %dot_general3A_405 {dimension_numbers = #tpu.dot_dimension_numbers<[1], [0], [0], [1], [0, 0, 1, 1], [], []>, transpose_lhs_hint = false} : vector<64x66xf32>, vector<66x200xf32>, vector<64x200xf32> -> vector<64x200xf32>
    %swap3A_407 = arith.constant 0 : index
    %swap3A_408 = arith.constant 18 : index
    %swap3A_409 = arith.constant 0 : index
    %swap3A_410 = arith.constant 0 : index
    %swap3A_411 = vector.load %arg4[%swap3A_407, %swap3A_408, %swap3A_409, %swap3A_410] : memref<1x40x64x200xf32, #tpu.memory_space<vmem>>, vector<1x1x64x200xf32>
    %swap3A_412 = vector.shape_cast %swap3A_411 : vector<1x1x64x200xf32> to vector<64x200xf32>
    %swap3A_413 = vector.shape_cast %dot_general3A_406 : vector<64x200xf32> to vector<1x1x64x200xf32>
    tpu.vector_store %arg4[%swap3A_407, %swap3A_408, %swap3A_409, %swap3A_410], %swap3A_413 {strides = array<i32>} : memref<1x40x64x200xf32, #tpu.memory_space<vmem>>, vector<1x1x64x200xf32>,
    %get3A_414 = arith.constant 0 : index
    %get3A_415 = arith.constant 19 : index
    %get3A_416 = arith.constant 0 : index
    %get3A_417 = vector.load %arg2[%get3A_414, %get3A_415, %get3A_416] : memref<1x40x200xi32, #tpu.memory_space<vmem>>, vector<1x1x200xi32>
    %get3A_418 = vector.shape_cast %get3A_417 : vector<1x1x200xi32> to vector<200xi32>
    %broadcast_in_dim3A_419 = vector.shape_cast %get3A_418 : vector<200xi32> to vector<1x200xi32>
    %eq3A_420 = vector.broadcast %broadcast_in_dim3A_419 : vector<1x200xi32> to vector<66x200xi32>
    %eq3A_421 = arith.cmpi eq, %eq3A_420, %iota3A : vector<66x200xi32>
    %jit3A_422 = arith.constant 1.000000e+00 : f32
    %jit3A_423 = arith.constant 0.000000e+00 : f32
    %broadcast_in_dim3A_424 = vector.broadcast %jit3A_422 : f32 to vector<66x200xf32>
    %broadcast_in_dim3A_425 = vector.broadcast %jit3A_423 : f32 to vector<66x200xf32>
    %select_n3A_426 = arith.select %eq3A_421, %broadcast_in_dim3A_424, %broadcast_in_dim3A_425 : vector<66x200xi1>, vector<66x200xf32>
    %dot_general3A_427 = arith.constant dense<0.000000e+00> : vector<64x200xf32>
    %dot_general3A_428 = tpu.matmul %get3A_1, %select_n3A_426, %dot_general3A_427 {dimension_numbers = #tpu.dot_dimension_numbers<[1], [0], [0], [1], [0, 0, 1, 1], [], []>, transpose_lhs_hint = false} : vector<64x66xf32>, vector<66x200xf32>, vector<64x200xf32> -> vector<64x200xf32>
    %swap3A_429 = arith.constant 0 : index
    %swap3A_430 = arith.constant 19 : index
    %swap3A_431 = arith.constant 0 : index
    %swap3A_432 = arith.constant 0 : index
    %swap3A_433 = vector.load %arg4[%swap3A_429, %swap3A_430, %swap3A_431, %swap3A_432] : memref<1x40x64x200xf32, #tpu.memory_space<vmem>>, vector<1x1x64x200xf32>
    %swap3A_434 = vector.shape_cast %swap3A_433 : vector<1x1x64x200xf32> to vector<64x200xf32>
    %swap3A_435 = vector.shape_cast %dot_general3A_428 : vector<64x200xf32> to vector<1x1x64x200xf32>
    tpu.vector_store %arg4[%swap3A_429, %swap3A_430, %swap3A_431, %swap3A_432], %swap3A_435 {strides = array<i32>} : memref<1x40x64x200xf32, #tpu.memory_space<vmem>>, vector<1x1x64x200xf32>,
    %get3A_436 = arith.constant 0 : index
    %get3A_437 = arith.constant 20 : index
    %get3A_438 = arith.constant 0 : index
    %get3A_439 = vector.load %arg2[%get3A_436, %get3A_437, %get3A_438] : memref<1x40x200xi32, #tpu.memory_space<vmem>>, vector<1x1x200xi32>
    %get3A_440 = vector.shape_cast %get3A_439 : vector<1x1x200xi32> to vector<200xi32>
    %broadcast_in_dim3A_441 = vector.shape_cast %get3A_440 : vector<200xi32> to vector<1x200xi32>
    %eq3A_442 = vector.broadcast %broadcast_in_dim3A_441 : vector<1x200xi32> to vector<66x200xi32>
    %eq3A_443 = arith.cmpi eq, %eq3A_442, %iota3A : vector<66x200xi32>
    %jit3A_444 = arith.constant 1.000000e+00 : f32
    %jit3A_445 = arith.constant 0.000000e+00 : f32
    %broadcast_in_dim3A_446 = vector.broadcast %jit3A_444 : f32 to vector<66x200xf32>
    %broadcast_in_dim3A_447 = vector.broadcast %jit3A_445 : f32 to vector<66x200xf32>
    %select_n3A_448 = arith.select %eq3A_443, %broadcast_in_dim3A_446, %broadcast_in_dim3A_447 : vector<66x200xi1>, vector<66x200xf32>
    %dot_general3A_449 = arith.constant dense<0.000000e+00> : vector<64x200xf32>
    %dot_general3A_450 = tpu.matmul %get3A_1, %select_n3A_448, %dot_general3A_449 {dimension_numbers = #tpu.dot_dimension_numbers<[1], [0], [0], [1], [0, 0, 1, 1], [], []>, transpose_lhs_hint = false} : vector<64x66xf32>, vector<66x200xf32>, vector<64x200xf32> -> vector<64x200xf32>
    %swap3A_451 = arith.constant 0 : index
    %swap3A_452 = arith.constant 20 : index
    %swap3A_453 = arith.constant 0 : index
    %swap3A_454 = arith.constant 0 : index
    %swap3A_455 = vector.load %arg4[%swap3A_451, %swap3A_452, %swap3A_453, %swap3A_454] : memref<1x40x64x200xf32, #tpu.memory_space<vmem>>, vector<1x1x64x200xf32>
    %swap3A_456 = vector.shape_cast %swap3A_455 : vector<1x1x64x200xf32> to vector<64x200xf32>
    %swap3A_457 = vector.shape_cast %dot_general3A_450 : vector<64x200xf32> to vector<1x1x64x200xf32>
    tpu.vector_store %arg4[%swap3A_451, %swap3A_452, %swap3A_453, %swap3A_454], %swap3A_457 {strides = array<i32>} : memref<1x40x64x200xf32, #tpu.memory_space<vmem>>, vector<1x1x64x200xf32>,
    %get3A_458 = arith.constant 0 : index
    %get3A_459 = arith.constant 21 : index
    %get3A_460 = arith.constant 0 : index
    %get3A_461 = vector.load %arg2[%get3A_458, %get3A_459, %get3A_460] : memref<1x40x200xi32, #tpu.memory_space<vmem>>, vector<1x1x200xi32>
    %get3A_462 = vector.shape_cast %get3A_461 : vector<1x1x200xi32> to vector<200xi32>
    %broadcast_in_dim3A_463 = vector.shape_cast %get3A_462 : vector<200xi32> to vector<1x200xi32>
    %eq3A_464 = vector.broadcast %broadcast_in_dim3A_463 : vector<1x200xi32> to vector<66x200xi32>
    %eq3A_465 = arith.cmpi eq, %eq3A_464, %iota3A : vector<66x200xi32>
    %jit3A_466 = arith.constant 1.000000e+00 : f32
    %jit3A_467 = arith.constant 0.000000e+00 : f32
    %broadcast_in_dim3A_468 = vector.broadcast %jit3A_466 : f32 to vector<66x200xf32>
    %broadcast_in_dim3A_469 = vector.broadcast %jit3A_467 : f32 to vector<66x200xf32>
    %select_n3A_470 = arith.select %eq3A_465, %broadcast_in_dim3A_468, %broadcast_in_dim3A_469 : vector<66x200xi1>, vector<66x200xf32>
    %dot_general3A_471 = arith.constant dense<0.000000e+00> : vector<64x200xf32>
    %dot_general3A_472 = tpu.matmul %get3A_1, %select_n3A_470, %dot_general3A_471 {dimension_numbers = #tpu.dot_dimension_numbers<[1], [0], [0], [1], [0, 0, 1, 1], [], []>, transpose_lhs_hint = false} : vector<64x66xf32>, vector<66x200xf32>, vector<64x200xf32> -> vector<64x200xf32>
    %swap3A_473 = arith.constant 0 : index
    %swap3A_474 = arith.constant 21 : index
    %swap3A_475 = arith.constant 0 : index
    %swap3A_476 = arith.constant 0 : index
    %swap3A_477 = vector.load %arg4[%swap3A_473, %swap3A_474, %swap3A_475, %swap3A_476] : memref<1x40x64x200xf32, #tpu.memory_space<vmem>>, vector<1x1x64x200xf32>
    %swap3A_478 = vector.shape_cast %swap3A_477 : vector<1x1x64x200xf32> to vector<64x200xf32>
    %swap3A_479 = vector.shape_cast %dot_general3A_472 : vector<64x200xf32> to vector<1x1x64x200xf32>
    tpu.vector_store %arg4[%swap3A_473, %swap3A_474, %swap3A_475, %swap3A_476], %swap3A_479 {strides = array<i32>} : memref<1x40x64x200xf32, #tpu.memory_space<vmem>>, vector<1x1x64x200xf32>,
    %get3A_480 = arith.constant 0 : index
    %get3A_481 = arith.constant 22 : index
    %get3A_482 = arith.constant 0 : index
    %get3A_483 = vector.load %arg2[%get3A_480, %get3A_481, %get3A_482] : memref<1x40x200xi32, #tpu.memory_space<vmem>>, vector<1x1x200xi32>
    %get3A_484 = vector.shape_cast %get3A_483 : vector<1x1x200xi32> to vector<200xi32>
    %broadcast_in_dim3A_485 = vector.shape_cast %get3A_484 : vector<200xi32> to vector<1x200xi32>
    %eq3A_486 = vector.broadcast %broadcast_in_dim3A_485 : vector<1x200xi32> to vector<66x200xi32>
    %eq3A_487 = arith.cmpi eq, %eq3A_486, %iota3A : vector<66x200xi32>
    %jit3A_488 = arith.constant 1.000000e+00 : f32
    %jit3A_489 = arith.constant 0.000000e+00 : f32
    %broadcast_in_dim3A_490 = vector.broadcast %jit3A_488 : f32 to vector<66x200xf32>
    %broadcast_in_dim3A_491 = vector.broadcast %jit3A_489 : f32 to vector<66x200xf32>
    %select_n3A_492 = arith.select %eq3A_487, %broadcast_in_dim3A_490, %broadcast_in_dim3A_491 : vector<66x200xi1>, vector<66x200xf32>
    %dot_general3A_493 = arith.constant dense<0.000000e+00> : vector<64x200xf32>
    %dot_general3A_494 = tpu.matmul %get3A_1, %select_n3A_492, %dot_general3A_493 {dimension_numbers = #tpu.dot_dimension_numbers<[1], [0], [0], [1], [0, 0, 1, 1], [], []>, transpose_lhs_hint = false} : vector<64x66xf32>, vector<66x200xf32>, vector<64x200xf32> -> vector<64x200xf32>
    %swap3A_495 = arith.constant 0 : index
    %swap3A_496 = arith.constant 22 : index
    %swap3A_497 = arith.constant 0 : index
    %swap3A_498 = arith.constant 0 : index
    %swap3A_499 = vector.load %arg4[%swap3A_495, %swap3A_496, %swap3A_497, %swap3A_498] : memref<1x40x64x200xf32, #tpu.memory_space<vmem>>, vector<1x1x64x200xf32>
    %swap3A_500 = vector.shape_cast %swap3A_499 : vector<1x1x64x200xf32> to vector<64x200xf32>
    %swap3A_501 = vector.shape_cast %dot_general3A_494 : vector<64x200xf32> to vector<1x1x64x200xf32>
    tpu.vector_store %arg4[%swap3A_495, %swap3A_496, %swap3A_497, %swap3A_498], %swap3A_501 {strides = array<i32>} : memref<1x40x64x200xf32, #tpu.memory_space<vmem>>, vector<1x1x64x200xf32>,
    %get3A_502 = arith.constant 0 : index
    %get3A_503 = arith.constant 23 : index
    %get3A_504 = arith.constant 0 : index
    %get3A_505 = vector.load %arg2[%get3A_502, %get3A_503, %get3A_504] : memref<1x40x200xi32, #tpu.memory_space<vmem>>, vector<1x1x200xi32>
    %get3A_506 = vector.shape_cast %get3A_505 : vector<1x1x200xi32> to vector<200xi32>
    %broadcast_in_dim3A_507 = vector.shape_cast %get3A_506 : vector<200xi32> to vector<1x200xi32>
    %eq3A_508 = vector.broadcast %broadcast_in_dim3A_507 : vector<1x200xi32> to vector<66x200xi32>
    %eq3A_509 = arith.cmpi eq, %eq3A_508, %iota3A : vector<66x200xi32>
    %jit3A_510 = arith.constant 1.000000e+00 : f32
    %jit3A_511 = arith.constant 0.000000e+00 : f32
    %broadcast_in_dim3A_512 = vector.broadcast %jit3A_510 : f32 to vector<66x200xf32>
    %broadcast_in_dim3A_513 = vector.broadcast %jit3A_511 : f32 to vector<66x200xf32>
    %select_n3A_514 = arith.select %eq3A_509, %broadcast_in_dim3A_512, %broadcast_in_dim3A_513 : vector<66x200xi1>, vector<66x200xf32>
    %dot_general3A_515 = arith.constant dense<0.000000e+00> : vector<64x200xf32>
    %dot_general3A_516 = tpu.matmul %get3A_1, %select_n3A_514, %dot_general3A_515 {dimension_numbers = #tpu.dot_dimension_numbers<[1], [0], [0], [1], [0, 0, 1, 1], [], []>, transpose_lhs_hint = false} : vector<64x66xf32>, vector<66x200xf32>, vector<64x200xf32> -> vector<64x200xf32>
    %swap3A_517 = arith.constant 0 : index
    %swap3A_518 = arith.constant 23 : index
    %swap3A_519 = arith.constant 0 : index
    %swap3A_520 = arith.constant 0 : index
    %swap3A_521 = vector.load %arg4[%swap3A_517, %swap3A_518, %swap3A_519, %swap3A_520] : memref<1x40x64x200xf32, #tpu.memory_space<vmem>>, vector<1x1x64x200xf32>
    %swap3A_522 = vector.shape_cast %swap3A_521 : vector<1x1x64x200xf32> to vector<64x200xf32>
    %swap3A_523 = vector.shape_cast %dot_general3A_516 : vector<64x200xf32> to vector<1x1x64x200xf32>
    tpu.vector_store %arg4[%swap3A_517, %swap3A_518, %swap3A_519, %swap3A_520], %swap3A_523 {strides = array<i32>} : memref<1x40x64x200xf32, #tpu.memory_space<vmem>>, vector<1x1x64x200xf32>,
    %get3A_524 = arith.constant 0 : index
    %get3A_525 = arith.constant 24 : index
    %get3A_526 = arith.constant 0 : index
    %get3A_527 = vector.load %arg2[%get3A_524, %get3A_525, %get3A_526] : memref<1x40x200xi32, #tpu.memory_space<vmem>>, vector<1x1x200xi32>
    %get3A_528 = vector.shape_cast %get3A_527 : vector<1x1x200xi32> to vector<200xi32>
    %broadcast_in_dim3A_529 = vector.shape_cast %get3A_528 : vector<200xi32> to vector<1x200xi32>
    %eq3A_530 = vector.broadcast %broadcast_in_dim3A_529 : vector<1x200xi32> to vector<66x200xi32>
    %eq3A_531 = arith.cmpi eq, %eq3A_530, %iota3A : vector<66x200xi32>
    %jit3A_532 = arith.constant 1.000000e+00 : f32
    %jit3A_533 = arith.constant 0.000000e+00 : f32
    %broadcast_in_dim3A_534 = vector.broadcast %jit3A_532 : f32 to vector<66x200xf32>
    %broadcast_in_dim3A_535 = vector.broadcast %jit3A_533 : f32 to vector<66x200xf32>
    %select_n3A_536 = arith.select %eq3A_531, %broadcast_in_dim3A_534, %broadcast_in_dim3A_535 : vector<66x200xi1>, vector<66x200xf32>
    %dot_general3A_537 = arith.constant dense<0.000000e+00> : vector<64x200xf32>
    %dot_general3A_538 = tpu.matmul %get3A_1, %select_n3A_536, %dot_general3A_537 {dimension_numbers = #tpu.dot_dimension_numbers<[1], [0], [0], [1], [0, 0, 1, 1], [], []>, transpose_lhs_hint = false} : vector<64x66xf32>, vector<66x200xf32>, vector<64x200xf32> -> vector<64x200xf32>
    %swap3A_539 = arith.constant 0 : index
    %swap3A_540 = arith.constant 24 : index
    %swap3A_541 = arith.constant 0 : index
    %swap3A_542 = arith.constant 0 : index
    %swap3A_543 = vector.load %arg4[%swap3A_539, %swap3A_540, %swap3A_541, %swap3A_542] : memref<1x40x64x200xf32, #tpu.memory_space<vmem>>, vector<1x1x64x200xf32>
    %swap3A_544 = vector.shape_cast %swap3A_543 : vector<1x1x64x200xf32> to vector<64x200xf32>
    %swap3A_545 = vector.shape_cast %dot_general3A_538 : vector<64x200xf32> to vector<1x1x64x200xf32>
    tpu.vector_store %arg4[%swap3A_539, %swap3A_540, %swap3A_541, %swap3A_542], %swap3A_545 {strides = array<i32>} : memref<1x40x64x200xf32, #tpu.memory_space<vmem>>, vector<1x1x64x200xf32>,
    %get3A_546 = arith.constant 0 : index
    %get3A_547 = arith.constant 25 : index
    %get3A_548 = arith.constant 0 : index
    %get3A_549 = vector.load %arg2[%get3A_546, %get3A_547, %get3A_548] : memref<1x40x200xi32, #tpu.memory_space<vmem>>, vector<1x1x200xi32>
    %get3A_550 = vector.shape_cast %get3A_549 : vector<1x1x200xi32> to vector<200xi32>
    %broadcast_in_dim3A_551 = vector.shape_cast %get3A_550 : vector<200xi32> to vector<1x200xi32>
    %eq3A_552 = vector.broadcast %broadcast_in_dim3A_551 : vector<1x200xi32> to vector<66x200xi32>
    %eq3A_553 = arith.cmpi eq, %eq3A_552, %iota3A : vector<66x200xi32>
    %jit3A_554 = arith.constant 1.000000e+00 : f32
    %jit3A_555 = arith.constant 0.000000e+00 : f32
    %broadcast_in_dim3A_556 = vector.broadcast %jit3A_554 : f32 to vector<66x200xf32>
    %broadcast_in_dim3A_557 = vector.broadcast %jit3A_555 : f32 to vector<66x200xf32>
    %select_n3A_558 = arith.select %eq3A_553, %broadcast_in_dim3A_556, %broadcast_in_dim3A_557 : vector<66x200xi1>, vector<66x200xf32>
    %dot_general3A_559 = arith.constant dense<0.000000e+00> : vector<64x200xf32>
    %dot_general3A_560 = tpu.matmul %get3A_1, %select_n3A_558, %dot_general3A_559 {dimension_numbers = #tpu.dot_dimension_numbers<[1], [0], [0], [1], [0, 0, 1, 1], [], []>, transpose_lhs_hint = false} : vector<64x66xf32>, vector<66x200xf32>, vector<64x200xf32> -> vector<64x200xf32>
    %swap3A_561 = arith.constant 0 : index
    %swap3A_562 = arith.constant 25 : index
    %swap3A_563 = arith.constant 0 : index
    %swap3A_564 = arith.constant 0 : index
    %swap3A_565 = vector.load %arg4[%swap3A_561, %swap3A_562, %swap3A_563, %swap3A_564] : memref<1x40x64x200xf32, #tpu.memory_space<vmem>>, vector<1x1x64x200xf32>
    %swap3A_566 = vector.shape_cast %swap3A_565 : vector<1x1x64x200xf32> to vector<64x200xf32>
    %swap3A_567 = vector.shape_cast %dot_general3A_560 : vector<64x200xf32> to vector<1x1x64x200xf32>
    tpu.vector_store %arg4[%swap3A_561, %swap3A_562, %swap3A_563, %swap3A_564], %swap3A_567 {strides = array<i32>} : memref<1x40x64x200xf32, #tpu.memory_space<vmem>>, vector<1x1x64x200xf32>,
    %get3A_568 = arith.constant 0 : index
    %get3A_569 = arith.constant 26 : index
    %get3A_570 = arith.constant 0 : index
    %get3A_571 = vector.load %arg2[%get3A_568, %get3A_569, %get3A_570] : memref<1x40x200xi32, #tpu.memory_space<vmem>>, vector<1x1x200xi32>
    %get3A_572 = vector.shape_cast %get3A_571 : vector<1x1x200xi32> to vector<200xi32>
    %broadcast_in_dim3A_573 = vector.shape_cast %get3A_572 : vector<200xi32> to vector<1x200xi32>
    %eq3A_574 = vector.broadcast %broadcast_in_dim3A_573 : vector<1x200xi32> to vector<66x200xi32>
    %eq3A_575 = arith.cmpi eq, %eq3A_574, %iota3A : vector<66x200xi32>
    %jit3A_576 = arith.constant 1.000000e+00 : f32
    %jit3A_577 = arith.constant 0.000000e+00 : f32
    %broadcast_in_dim3A_578 = vector.broadcast %jit3A_576 : f32 to vector<66x200xf32>
    %broadcast_in_dim3A_579 = vector.broadcast %jit3A_577 : f32 to vector<66x200xf32>
    %select_n3A_580 = arith.select %eq3A_575, %broadcast_in_dim3A_578, %broadcast_in_dim3A_579 : vector<66x200xi1>, vector<66x200xf32>
    %dot_general3A_581 = arith.constant dense<0.000000e+00> : vector<64x200xf32>
    %dot_general3A_582 = tpu.matmul %get3A_1, %select_n3A_580, %dot_general3A_581 {dimension_numbers = #tpu.dot_dimension_numbers<[1], [0], [0], [1], [0, 0, 1, 1], [], []>, transpose_lhs_hint = false} : vector<64x66xf32>, vector<66x200xf32>, vector<64x200xf32> -> vector<64x200xf32>
    %swap3A_583 = arith.constant 0 : index
    %swap3A_584 = arith.constant 26 : index
    %swap3A_585 = arith.constant 0 : index
    %swap3A_586 = arith.constant 0 : index
    %swap3A_587 = vector.load %arg4[%swap3A_583, %swap3A_584, %swap3A_585, %swap3A_586] : memref<1x40x64x200xf32, #tpu.memory_space<vmem>>, vector<1x1x64x200xf32>
    %swap3A_588 = vector.shape_cast %swap3A_587 : vector<1x1x64x200xf32> to vector<64x200xf32>
    %swap3A_589 = vector.shape_cast %dot_general3A_582 : vector<64x200xf32> to vector<1x1x64x200xf32>
    tpu.vector_store %arg4[%swap3A_583, %swap3A_584, %swap3A_585, %swap3A_586], %swap3A_589 {strides = array<i32>} : memref<1x40x64x200xf32, #tpu.memory_space<vmem>>, vector<1x1x64x200xf32>,
    %get3A_590 = arith.constant 0 : index
    %get3A_591 = arith.constant 27 : index
    %get3A_592 = arith.constant 0 : index
    %get3A_593 = vector.load %arg2[%get3A_590, %get3A_591, %get3A_592] : memref<1x40x200xi32, #tpu.memory_space<vmem>>, vector<1x1x200xi32>
    %get3A_594 = vector.shape_cast %get3A_593 : vector<1x1x200xi32> to vector<200xi32>
    %broadcast_in_dim3A_595 = vector.shape_cast %get3A_594 : vector<200xi32> to vector<1x200xi32>
    %eq3A_596 = vector.broadcast %broadcast_in_dim3A_595 : vector<1x200xi32> to vector<66x200xi32>
    %eq3A_597 = arith.cmpi eq, %eq3A_596, %iota3A : vector<66x200xi32>
    %jit3A_598 = arith.constant 1.000000e+00 : f32
    %jit3A_599 = arith.constant 0.000000e+00 : f32
    %broadcast_in_dim3A_600 = vector.broadcast %jit3A_598 : f32 to vector<66x200xf32>
    %broadcast_in_dim3A_601 = vector.broadcast %jit3A_599 : f32 to vector<66x200xf32>
    %select_n3A_602 = arith.select %eq3A_597, %broadcast_in_dim3A_600, %broadcast_in_dim3A_601 : vector<66x200xi1>, vector<66x200xf32>
    %dot_general3A_603 = arith.constant dense<0.000000e+00> : vector<64x200xf32>
    %dot_general3A_604 = tpu.matmul %get3A_1, %select_n3A_602, %dot_general3A_603 {dimension_numbers = #tpu.dot_dimension_numbers<[1], [0], [0], [1], [0, 0, 1, 1], [], []>, transpose_lhs_hint = false} : vector<64x66xf32>, vector<66x200xf32>, vector<64x200xf32> -> vector<64x200xf32>
    %swap3A_605 = arith.constant 0 : index
    %swap3A_606 = arith.constant 27 : index
    %swap3A_607 = arith.constant 0 : index
    %swap3A_608 = arith.constant 0 : index
    %swap3A_609 = vector.load %arg4[%swap3A_605, %swap3A_606, %swap3A_607, %swap3A_608] : memref<1x40x64x200xf32, #tpu.memory_space<vmem>>, vector<1x1x64x200xf32>
    %swap3A_610 = vector.shape_cast %swap3A_609 : vector<1x1x64x200xf32> to vector<64x200xf32>
    %swap3A_611 = vector.shape_cast %dot_general3A_604 : vector<64x200xf32> to vector<1x1x64x200xf32>
    tpu.vector_store %arg4[%swap3A_605, %swap3A_606, %swap3A_607, %swap3A_608], %swap3A_611 {strides = array<i32>} : memref<1x40x64x200xf32, #tpu.memory_space<vmem>>, vector<1x1x64x200xf32>,
    %get3A_612 = arith.constant 0 : index
    %get3A_613 = arith.constant 28 : index
    %get3A_614 = arith.constant 0 : index
    %get3A_615 = vector.load %arg2[%get3A_612, %get3A_613, %get3A_614] : memref<1x40x200xi32, #tpu.memory_space<vmem>>, vector<1x1x200xi32>
    %get3A_616 = vector.shape_cast %get3A_615 : vector<1x1x200xi32> to vector<200xi32>
    %broadcast_in_dim3A_617 = vector.shape_cast %get3A_616 : vector<200xi32> to vector<1x200xi32>
    %eq3A_618 = vector.broadcast %broadcast_in_dim3A_617 : vector<1x200xi32> to vector<66x200xi32>
    %eq3A_619 = arith.cmpi eq, %eq3A_618, %iota3A : vector<66x200xi32>
    %jit3A_620 = arith.constant 1.000000e+00 : f32
    %jit3A_621 = arith.constant 0.000000e+00 : f32
    %broadcast_in_dim3A_622 = vector.broadcast %jit3A_620 : f32 to vector<66x200xf32>
    %broadcast_in_dim3A_623 = vector.broadcast %jit3A_621 : f32 to vector<66x200xf32>
    %select_n3A_624 = arith.select %eq3A_619, %broadcast_in_dim3A_622, %broadcast_in_dim3A_623 : vector<66x200xi1>, vector<66x200xf32>
    %dot_general3A_625 = arith.constant dense<0.000000e+00> : vector<64x200xf32>
    %dot_general3A_626 = tpu.matmul %get3A_1, %select_n3A_624, %dot_general3A_625 {dimension_numbers = #tpu.dot_dimension_numbers<[1], [0], [0], [1], [0, 0, 1, 1], [], []>, transpose_lhs_hint = false} : vector<64x66xf32>, vector<66x200xf32>, vector<64x200xf32> -> vector<64x200xf32>
    %swap3A_627 = arith.constant 0 : index
    %swap3A_628 = arith.constant 28 : index
    %swap3A_629 = arith.constant 0 : index
    %swap3A_630 = arith.constant 0 : index
    %swap3A_631 = vector.load %arg4[%swap3A_627, %swap3A_628, %swap3A_629, %swap3A_630] : memref<1x40x64x200xf32, #tpu.memory_space<vmem>>, vector<1x1x64x200xf32>
    %swap3A_632 = vector.shape_cast %swap3A_631 : vector<1x1x64x200xf32> to vector<64x200xf32>
    %swap3A_633 = vector.shape_cast %dot_general3A_626 : vector<64x200xf32> to vector<1x1x64x200xf32>
    tpu.vector_store %arg4[%swap3A_627, %swap3A_628, %swap3A_629, %swap3A_630], %swap3A_633 {strides = array<i32>} : memref<1x40x64x200xf32, #tpu.memory_space<vmem>>, vector<1x1x64x200xf32>,
    %get3A_634 = arith.constant 0 : index
    %get3A_635 = arith.constant 29 : index
    %get3A_636 = arith.constant 0 : index
    %get3A_637 = vector.load %arg2[%get3A_634, %get3A_635, %get3A_636] : memref<1x40x200xi32, #tpu.memory_space<vmem>>, vector<1x1x200xi32>
    %get3A_638 = vector.shape_cast %get3A_637 : vector<1x1x200xi32> to vector<200xi32>
    %broadcast_in_dim3A_639 = vector.shape_cast %get3A_638 : vector<200xi32> to vector<1x200xi32>
    %eq3A_640 = vector.broadcast %broadcast_in_dim3A_639 : vector<1x200xi32> to vector<66x200xi32>
    %eq3A_641 = arith.cmpi eq, %eq3A_640, %iota3A : vector<66x200xi32>
    %jit3A_642 = arith.constant 1.000000e+00 : f32
    %jit3A_643 = arith.constant 0.000000e+00 : f32
    %broadcast_in_dim3A_644 = vector.broadcast %jit3A_642 : f32 to vector<66x200xf32>
    %broadcast_in_dim3A_645 = vector.broadcast %jit3A_643 : f32 to vector<66x200xf32>
    %select_n3A_646 = arith.select %eq3A_641, %broadcast_in_dim3A_644, %broadcast_in_dim3A_645 : vector<66x200xi1>, vector<66x200xf32>
    %dot_general3A_647 = arith.constant dense<0.000000e+00> : vector<64x200xf32>
    %dot_general3A_648 = tpu.matmul %get3A_1, %select_n3A_646, %dot_general3A_647 {dimension_numbers = #tpu.dot_dimension_numbers<[1], [0], [0], [1], [0, 0, 1, 1], [], []>, transpose_lhs_hint = false} : vector<64x66xf32>, vector<66x200xf32>, vector<64x200xf32> -> vector<64x200xf32>
    %swap3A_649 = arith.constant 0 : index
    %swap3A_650 = arith.constant 29 : index
    %swap3A_651 = arith.constant 0 : index
    %swap3A_652 = arith.constant 0 : index
    %swap3A_653 = vector.load %arg4[%swap3A_649, %swap3A_650, %swap3A_651, %swap3A_652] : memref<1x40x64x200xf32, #tpu.memory_space<vmem>>, vector<1x1x64x200xf32>
    %swap3A_654 = vector.shape_cast %swap3A_653 : vector<1x1x64x200xf32> to vector<64x200xf32>
    %swap3A_655 = vector.shape_cast %dot_general3A_648 : vector<64x200xf32> to vector<1x1x64x200xf32>
    tpu.vector_store %arg4[%swap3A_649, %swap3A_650, %swap3A_651, %swap3A_652], %swap3A_655 {strides = array<i32>} : memref<1x40x64x200xf32, #tpu.memory_space<vmem>>, vector<1x1x64x200xf32>,
    %get3A_656 = arith.constant 0 : index
    %get3A_657 = arith.constant 30 : index
    %get3A_658 = arith.constant 0 : index
    %get3A_659 = vector.load %arg2[%get3A_656, %get3A_657, %get3A_658] : memref<1x40x200xi32, #tpu.memory_space<vmem>>, vector<1x1x200xi32>
    %get3A_660 = vector.shape_cast %get3A_659 : vector<1x1x200xi32> to vector<200xi32>
    %broadcast_in_dim3A_661 = vector.shape_cast %get3A_660 : vector<200xi32> to vector<1x200xi32>
    %eq3A_662 = vector.broadcast %broadcast_in_dim3A_661 : vector<1x200xi32> to vector<66x200xi32>
    %eq3A_663 = arith.cmpi eq, %eq3A_662, %iota3A : vector<66x200xi32>
    %jit3A_664 = arith.constant 1.000000e+00 : f32
    %jit3A_665 = arith.constant 0.000000e+00 : f32
    %broadcast_in_dim3A_666 = vector.broadcast %jit3A_664 : f32 to vector<66x200xf32>
    %broadcast_in_dim3A_667 = vector.broadcast %jit3A_665 : f32 to vector<66x200xf32>
    %select_n3A_668 = arith.select %eq3A_663, %broadcast_in_dim3A_666, %broadcast_in_dim3A_667 : vector<66x200xi1>, vector<66x200xf32>
    %dot_general3A_669 = arith.constant dense<0.000000e+00> : vector<64x200xf32>
    %dot_general3A_670 = tpu.matmul %get3A_1, %select_n3A_668, %dot_general3A_669 {dimension_numbers = #tpu.dot_dimension_numbers<[1], [0], [0], [1], [0, 0, 1, 1], [], []>, transpose_lhs_hint = false} : vector<64x66xf32>, vector<66x200xf32>, vector<64x200xf32> -> vector<64x200xf32>
    %swap3A_671 = arith.constant 0 : index
    %swap3A_672 = arith.constant 30 : index
    %swap3A_673 = arith.constant 0 : index
    %swap3A_674 = arith.constant 0 : index
    %swap3A_675 = vector.load %arg4[%swap3A_671, %swap3A_672, %swap3A_673, %swap3A_674] : memref<1x40x64x200xf32, #tpu.memory_space<vmem>>, vector<1x1x64x200xf32>
    %swap3A_676 = vector.shape_cast %swap3A_675 : vector<1x1x64x200xf32> to vector<64x200xf32>
    %swap3A_677 = vector.shape_cast %dot_general3A_670 : vector<64x200xf32> to vector<1x1x64x200xf32>
    tpu.vector_store %arg4[%swap3A_671, %swap3A_672, %swap3A_673, %swap3A_674], %swap3A_677 {strides = array<i32>} : memref<1x40x64x200xf32, #tpu.memory_space<vmem>>, vector<1x1x64x200xf32>,
    %get3A_678 = arith.constant 0 : index
    %get3A_679 = arith.constant 31 : index
    %get3A_680 = arith.constant 0 : index
    %get3A_681 = vector.load %arg2[%get3A_678, %get3A_679, %get3A_680] : memref<1x40x200xi32, #tpu.memory_space<vmem>>, vector<1x1x200xi32>
    %get3A_682 = vector.shape_cast %get3A_681 : vector<1x1x200xi32> to vector<200xi32>
    %broadcast_in_dim3A_683 = vector.shape_cast %get3A_682 : vector<200xi32> to vector<1x200xi32>
    %eq3A_684 = vector.broadcast %broadcast_in_dim3A_683 : vector<1x200xi32> to vector<66x200xi32>
    %eq3A_685 = arith.cmpi eq, %eq3A_684, %iota3A : vector<66x200xi32>
    %jit3A_686 = arith.constant 1.000000e+00 : f32
    %jit3A_687 = arith.constant 0.000000e+00 : f32
    %broadcast_in_dim3A_688 = vector.broadcast %jit3A_686 : f32 to vector<66x200xf32>
    %broadcast_in_dim3A_689 = vector.broadcast %jit3A_687 : f32 to vector<66x200xf32>
    %select_n3A_690 = arith.select %eq3A_685, %broadcast_in_dim3A_688, %broadcast_in_dim3A_689 : vector<66x200xi1>, vector<66x200xf32>
    %dot_general3A_691 = arith.constant dense<0.000000e+00> : vector<64x200xf32>
    %dot_general3A_692 = tpu.matmul %get3A_1, %select_n3A_690, %dot_general3A_691 {dimension_numbers = #tpu.dot_dimension_numbers<[1], [0], [0], [1], [0, 0, 1, 1], [], []>, transpose_lhs_hint = false} : vector<64x66xf32>, vector<66x200xf32>, vector<64x200xf32> -> vector<64x200xf32>
    %swap3A_693 = arith.constant 0 : index
    %swap3A_694 = arith.constant 31 : index
    %swap3A_695 = arith.constant 0 : index
    %swap3A_696 = arith.constant 0 : index
    %swap3A_697 = vector.load %arg4[%swap3A_693, %swap3A_694, %swap3A_695, %swap3A_696] : memref<1x40x64x200xf32, #tpu.memory_space<vmem>>, vector<1x1x64x200xf32>
    %swap3A_698 = vector.shape_cast %swap3A_697 : vector<1x1x64x200xf32> to vector<64x200xf32>
    %swap3A_699 = vector.shape_cast %dot_general3A_692 : vector<64x200xf32> to vector<1x1x64x200xf32>
    tpu.vector_store %arg4[%swap3A_693, %swap3A_694, %swap3A_695, %swap3A_696], %swap3A_699 {strides = array<i32>} : memref<1x40x64x200xf32, #tpu.memory_space<vmem>>, vector<1x1x64x200xf32>,
    %get3A_700 = arith.constant 0 : index
    %get3A_701 = arith.constant 32 : index
    %get3A_702 = arith.constant 0 : index
    %get3A_703 = vector.load %arg2[%get3A_700, %get3A_701, %get3A_702] : memref<1x40x200xi32, #tpu.memory_space<vmem>>, vector<1x1x200xi32>
    %get3A_704 = vector.shape_cast %get3A_703 : vector<1x1x200xi32> to vector<200xi32>
    %broadcast_in_dim3A_705 = vector.shape_cast %get3A_704 : vector<200xi32> to vector<1x200xi32>
    %eq3A_706 = vector.broadcast %broadcast_in_dim3A_705 : vector<1x200xi32> to vector<66x200xi32>
    %eq3A_707 = arith.cmpi eq, %eq3A_706, %iota3A : vector<66x200xi32>
    %jit3A_708 = arith.constant 1.000000e+00 : f32
    %jit3A_709 = arith.constant 0.000000e+00 : f32
    %broadcast_in_dim3A_710 = vector.broadcast %jit3A_708 : f32 to vector<66x200xf32>
    %broadcast_in_dim3A_711 = vector.broadcast %jit3A_709 : f32 to vector<66x200xf32>
    %select_n3A_712 = arith.select %eq3A_707, %broadcast_in_dim3A_710, %broadcast_in_dim3A_711 : vector<66x200xi1>, vector<66x200xf32>
    %dot_general3A_713 = arith.constant dense<0.000000e+00> : vector<64x200xf32>
    %dot_general3A_714 = tpu.matmul %get3A_1, %select_n3A_712, %dot_general3A_713 {dimension_numbers = #tpu.dot_dimension_numbers<[1], [0], [0], [1], [0, 0, 1, 1], [], []>, transpose_lhs_hint = false} : vector<64x66xf32>, vector<66x200xf32>, vector<64x200xf32> -> vector<64x200xf32>
    %swap3A_715 = arith.constant 0 : index
    %swap3A_716 = arith.constant 32 : index
    %swap3A_717 = arith.constant 0 : index
    %swap3A_718 = arith.constant 0 : index
    %swap3A_719 = vector.load %arg4[%swap3A_715, %swap3A_716, %swap3A_717, %swap3A_718] : memref<1x40x64x200xf32, #tpu.memory_space<vmem>>, vector<1x1x64x200xf32>
    %swap3A_720 = vector.shape_cast %swap3A_719 : vector<1x1x64x200xf32> to vector<64x200xf32>
    %swap3A_721 = vector.shape_cast %dot_general3A_714 : vector<64x200xf32> to vector<1x1x64x200xf32>
    tpu.vector_store %arg4[%swap3A_715, %swap3A_716, %swap3A_717, %swap3A_718], %swap3A_721 {strides = array<i32>} : memref<1x40x64x200xf32, #tpu.memory_space<vmem>>, vector<1x1x64x200xf32>,
    %get3A_722 = arith.constant 0 : index
    %get3A_723 = arith.constant 33 : index
    %get3A_724 = arith.constant 0 : index
    %get3A_725 = vector.load %arg2[%get3A_722, %get3A_723, %get3A_724] : memref<1x40x200xi32, #tpu.memory_space<vmem>>, vector<1x1x200xi32>
    %get3A_726 = vector.shape_cast %get3A_725 : vector<1x1x200xi32> to vector<200xi32>
    %broadcast_in_dim3A_727 = vector.shape_cast %get3A_726 : vector<200xi32> to vector<1x200xi32>
    %eq3A_728 = vector.broadcast %broadcast_in_dim3A_727 : vector<1x200xi32> to vector<66x200xi32>
    %eq3A_729 = arith.cmpi eq, %eq3A_728, %iota3A : vector<66x200xi32>
    %jit3A_730 = arith.constant 1.000000e+00 : f32
    %jit3A_731 = arith.constant 0.000000e+00 : f32
    %broadcast_in_dim3A_732 = vector.broadcast %jit3A_730 : f32 to vector<66x200xf32>
    %broadcast_in_dim3A_733 = vector.broadcast %jit3A_731 : f32 to vector<66x200xf32>
    %select_n3A_734 = arith.select %eq3A_729, %broadcast_in_dim3A_732, %broadcast_in_dim3A_733 : vector<66x200xi1>, vector<66x200xf32>
    %dot_general3A_735 = arith.constant dense<0.000000e+00> : vector<64x200xf32>
    %dot_general3A_736 = tpu.matmul %get3A_1, %select_n3A_734, %dot_general3A_735 {dimension_numbers = #tpu.dot_dimension_numbers<[1], [0], [0], [1], [0, 0, 1, 1], [], []>, transpose_lhs_hint = false} : vector<64x66xf32>, vector<66x200xf32>, vector<64x200xf32> -> vector<64x200xf32>
    %swap3A_737 = arith.constant 0 : index
    %swap3A_738 = arith.constant 33 : index
    %swap3A_739 = arith.constant 0 : index
    %swap3A_740 = arith.constant 0 : index
    %swap3A_741 = vector.load %arg4[%swap3A_737, %swap3A_738, %swap3A_739, %swap3A_740] : memref<1x40x64x200xf32, #tpu.memory_space<vmem>>, vector<1x1x64x200xf32>
    %swap3A_742 = vector.shape_cast %swap3A_741 : vector<1x1x64x200xf32> to vector<64x200xf32>
    %swap3A_743 = vector.shape_cast %dot_general3A_736 : vector<64x200xf32> to vector<1x1x64x200xf32>
    tpu.vector_store %arg4[%swap3A_737, %swap3A_738, %swap3A_739, %swap3A_740], %swap3A_743 {strides = array<i32>} : memref<1x40x64x200xf32, #tpu.memory_space<vmem>>, vector<1x1x64x200xf32>,
    %get3A_744 = arith.constant 0 : index
    %get3A_745 = arith.constant 34 : index
    %get3A_746 = arith.constant 0 : index
    %get3A_747 = vector.load %arg2[%get3A_744, %get3A_745, %get3A_746] : memref<1x40x200xi32, #tpu.memory_space<vmem>>, vector<1x1x200xi32>
    %get3A_748 = vector.shape_cast %get3A_747 : vector<1x1x200xi32> to vector<200xi32>
    %broadcast_in_dim3A_749 = vector.shape_cast %get3A_748 : vector<200xi32> to vector<1x200xi32>
    %eq3A_750 = vector.broadcast %broadcast_in_dim3A_749 : vector<1x200xi32> to vector<66x200xi32>
    %eq3A_751 = arith.cmpi eq, %eq3A_750, %iota3A : vector<66x200xi32>
    %jit3A_752 = arith.constant 1.000000e+00 : f32
    %jit3A_753 = arith.constant 0.000000e+00 : f32
    %broadcast_in_dim3A_754 = vector.broadcast %jit3A_752 : f32 to vector<66x200xf32>
    %broadcast_in_dim3A_755 = vector.broadcast %jit3A_753 : f32 to vector<66x200xf32>
    %select_n3A_756 = arith.select %eq3A_751, %broadcast_in_dim3A_754, %broadcast_in_dim3A_755 : vector<66x200xi1>, vector<66x200xf32>
    %dot_general3A_757 = arith.constant dense<0.000000e+00> : vector<64x200xf32>
    %dot_general3A_758 = tpu.matmul %get3A_1, %select_n3A_756, %dot_general3A_757 {dimension_numbers = #tpu.dot_dimension_numbers<[1], [0], [0], [1], [0, 0, 1, 1], [], []>, transpose_lhs_hint = false} : vector<64x66xf32>, vector<66x200xf32>, vector<64x200xf32> -> vector<64x200xf32>
    %swap3A_759 = arith.constant 0 : index
    %swap3A_760 = arith.constant 34 : index
    %swap3A_761 = arith.constant 0 : index
    %swap3A_762 = arith.constant 0 : index
    %swap3A_763 = vector.load %arg4[%swap3A_759, %swap3A_760, %swap3A_761, %swap3A_762] : memref<1x40x64x200xf32, #tpu.memory_space<vmem>>, vector<1x1x64x200xf32>
    %swap3A_764 = vector.shape_cast %swap3A_763 : vector<1x1x64x200xf32> to vector<64x200xf32>
    %swap3A_765 = vector.shape_cast %dot_general3A_758 : vector<64x200xf32> to vector<1x1x64x200xf32>
    tpu.vector_store %arg4[%swap3A_759, %swap3A_760, %swap3A_761, %swap3A_762], %swap3A_765 {strides = array<i32>} : memref<1x40x64x200xf32, #tpu.memory_space<vmem>>, vector<1x1x64x200xf32>,
    %get3A_766 = arith.constant 0 : index
    %get3A_767 = arith.constant 35 : index
    %get3A_768 = arith.constant 0 : index
    %get3A_769 = vector.load %arg2[%get3A_766, %get3A_767, %get3A_768] : memref<1x40x200xi32, #tpu.memory_space<vmem>>, vector<1x1x200xi32>
    %get3A_770 = vector.shape_cast %get3A_769 : vector<1x1x200xi32> to vector<200xi32>
    %broadcast_in_dim3A_771 = vector.shape_cast %get3A_770 : vector<200xi32> to vector<1x200xi32>
    %eq3A_772 = vector.broadcast %broadcast_in_dim3A_771 : vector<1x200xi32> to vector<66x200xi32>
    %eq3A_773 = arith.cmpi eq, %eq3A_772, %iota3A : vector<66x200xi32>
    %jit3A_774 = arith.constant 1.000000e+00 : f32
    %jit3A_775 = arith.constant 0.000000e+00 : f32
    %broadcast_in_dim3A_776 = vector.broadcast %jit3A_774 : f32 to vector<66x200xf32>
    %broadcast_in_dim3A_777 = vector.broadcast %jit3A_775 : f32 to vector<66x200xf32>
    %select_n3A_778 = arith.select %eq3A_773, %broadcast_in_dim3A_776, %broadcast_in_dim3A_777 : vector<66x200xi1>, vector<66x200xf32>
    %dot_general3A_779 = arith.constant dense<0.000000e+00> : vector<64x200xf32>
    %dot_general3A_780 = tpu.matmul %get3A_1, %select_n3A_778, %dot_general3A_779 {dimension_numbers = #tpu.dot_dimension_numbers<[1], [0], [0], [1], [0, 0, 1, 1], [], []>, transpose_lhs_hint = false} : vector<64x66xf32>, vector<66x200xf32>, vector<64x200xf32> -> vector<64x200xf32>
    %swap3A_781 = arith.constant 0 : index
    %swap3A_782 = arith.constant 35 : index
    %swap3A_783 = arith.constant 0 : index
    %swap3A_784 = arith.constant 0 : index
    %swap3A_785 = vector.load %arg4[%swap3A_781, %swap3A_782, %swap3A_783, %swap3A_784] : memref<1x40x64x200xf32, #tpu.memory_space<vmem>>, vector<1x1x64x200xf32>
    %swap3A_786 = vector.shape_cast %swap3A_785 : vector<1x1x64x200xf32> to vector<64x200xf32>
    %swap3A_787 = vector.shape_cast %dot_general3A_780 : vector<64x200xf32> to vector<1x1x64x200xf32>
    tpu.vector_store %arg4[%swap3A_781, %swap3A_782, %swap3A_783, %swap3A_784], %swap3A_787 {strides = array<i32>} : memref<1x40x64x200xf32, #tpu.memory_space<vmem>>, vector<1x1x64x200xf32>,
    %get3A_788 = arith.constant 0 : index
    %get3A_789 = arith.constant 36 : index
    %get3A_790 = arith.constant 0 : index
    %get3A_791 = vector.load %arg2[%get3A_788, %get3A_789, %get3A_790] : memref<1x40x200xi32, #tpu.memory_space<vmem>>, vector<1x1x200xi32>
    %get3A_792 = vector.shape_cast %get3A_791 : vector<1x1x200xi32> to vector<200xi32>
    %broadcast_in_dim3A_793 = vector.shape_cast %get3A_792 : vector<200xi32> to vector<1x200xi32>
    %eq3A_794 = vector.broadcast %broadcast_in_dim3A_793 : vector<1x200xi32> to vector<66x200xi32>
    %eq3A_795 = arith.cmpi eq, %eq3A_794, %iota3A : vector<66x200xi32>
    %jit3A_796 = arith.constant 1.000000e+00 : f32
    %jit3A_797 = arith.constant 0.000000e+00 : f32
    %broadcast_in_dim3A_798 = vector.broadcast %jit3A_796 : f32 to vector<66x200xf32>
    %broadcast_in_dim3A_799 = vector.broadcast %jit3A_797 : f32 to vector<66x200xf32>
    %select_n3A_800 = arith.select %eq3A_795, %broadcast_in_dim3A_798, %broadcast_in_dim3A_799 : vector<66x200xi1>, vector<66x200xf32>
    %dot_general3A_801 = arith.constant dense<0.000000e+00> : vector<64x200xf32>
    %dot_general3A_802 = tpu.matmul %get3A_1, %select_n3A_800, %dot_general3A_801 {dimension_numbers = #tpu.dot_dimension_numbers<[1], [0], [0], [1], [0, 0, 1, 1], [], []>, transpose_lhs_hint = false} : vector<64x66xf32>, vector<66x200xf32>, vector<64x200xf32> -> vector<64x200xf32>
    %swap3A_803 = arith.constant 0 : index
    %swap3A_804 = arith.constant 36 : index
    %swap3A_805 = arith.constant 0 : index
    %swap3A_806 = arith.constant 0 : index
    %swap3A_807 = vector.load %arg4[%swap3A_803, %swap3A_804, %swap3A_805, %swap3A_806] : memref<1x40x64x200xf32, #tpu.memory_space<vmem>>, vector<1x1x64x200xf32>
    %swap3A_808 = vector.shape_cast %swap3A_807 : vector<1x1x64x200xf32> to vector<64x200xf32>
    %swap3A_809 = vector.shape_cast %dot_general3A_802 : vector<64x200xf32> to vector<1x1x64x200xf32>
    tpu.vector_store %arg4[%swap3A_803, %swap3A_804, %swap3A_805, %swap3A_806], %swap3A_809 {strides = array<i32>} : memref<1x40x64x200xf32, #tpu.memory_space<vmem>>, vector<1x1x64x200xf32>,
    %get3A_810 = arith.constant 0 : index
    %get3A_811 = arith.constant 37 : index
    %get3A_812 = arith.constant 0 : index
    %get3A_813 = vector.load %arg2[%get3A_810, %get3A_811, %get3A_812] : memref<1x40x200xi32, #tpu.memory_space<vmem>>, vector<1x1x200xi32>
    %get3A_814 = vector.shape_cast %get3A_813 : vector<1x1x200xi32> to vector<200xi32>
    %broadcast_in_dim3A_815 = vector.shape_cast %get3A_814 : vector<200xi32> to vector<1x200xi32>
    %eq3A_816 = vector.broadcast %broadcast_in_dim3A_815 : vector<1x200xi32> to vector<66x200xi32>
    %eq3A_817 = arith.cmpi eq, %eq3A_816, %iota3A : vector<66x200xi32>
    %jit3A_818 = arith.constant 1.000000e+00 : f32
    %jit3A_819 = arith.constant 0.000000e+00 : f32
    %broadcast_in_dim3A_820 = vector.broadcast %jit3A_818 : f32 to vector<66x200xf32>
    %broadcast_in_dim3A_821 = vector.broadcast %jit3A_819 : f32 to vector<66x200xf32>
    %select_n3A_822 = arith.select %eq3A_817, %broadcast_in_dim3A_820, %broadcast_in_dim3A_821 : vector<66x200xi1>, vector<66x200xf32>
    %dot_general3A_823 = arith.constant dense<0.000000e+00> : vector<64x200xf32>
    %dot_general3A_824 = tpu.matmul %get3A_1, %select_n3A_822, %dot_general3A_823 {dimension_numbers = #tpu.dot_dimension_numbers<[1], [0], [0], [1], [0, 0, 1, 1], [], []>, transpose_lhs_hint = false} : vector<64x66xf32>, vector<66x200xf32>, vector<64x200xf32> -> vector<64x200xf32>
    %swap3A_825 = arith.constant 0 : index
    %swap3A_826 = arith.constant 37 : index
    %swap3A_827 = arith.constant 0 : index
    %swap3A_828 = arith.constant 0 : index
    %swap3A_829 = vector.load %arg4[%swap3A_825, %swap3A_826, %swap3A_827, %swap3A_828] : memref<1x40x64x200xf32, #tpu.memory_space<vmem>>, vector<1x1x64x200xf32>
    %swap3A_830 = vector.shape_cast %swap3A_829 : vector<1x1x64x200xf32> to vector<64x200xf32>
    %swap3A_831 = vector.shape_cast %dot_general3A_824 : vector<64x200xf32> to vector<1x1x64x200xf32>
    tpu.vector_store %arg4[%swap3A_825, %swap3A_826, %swap3A_827, %swap3A_828], %swap3A_831 {strides = array<i32>} : memref<1x40x64x200xf32, #tpu.memory_space<vmem>>, vector<1x1x64x200xf32>,
    %get3A_832 = arith.constant 0 : index
    %get3A_833 = arith.constant 38 : index
    %get3A_834 = arith.constant 0 : index
    %get3A_835 = vector.load %arg2[%get3A_832, %get3A_833, %get3A_834] : memref<1x40x200xi32, #tpu.memory_space<vmem>>, vector<1x1x200xi32>
    %get3A_836 = vector.shape_cast %get3A_835 : vector<1x1x200xi32> to vector<200xi32>
    %broadcast_in_dim3A_837 = vector.shape_cast %get3A_836 : vector<200xi32> to vector<1x200xi32>
    %eq3A_838 = vector.broadcast %broadcast_in_dim3A_837 : vector<1x200xi32> to vector<66x200xi32>
    %eq3A_839 = arith.cmpi eq, %eq3A_838, %iota3A : vector<66x200xi32>
    %jit3A_840 = arith.constant 1.000000e+00 : f32
    %jit3A_841 = arith.constant 0.000000e+00 : f32
    %broadcast_in_dim3A_842 = vector.broadcast %jit3A_840 : f32 to vector<66x200xf32>
    %broadcast_in_dim3A_843 = vector.broadcast %jit3A_841 : f32 to vector<66x200xf32>
    %select_n3A_844 = arith.select %eq3A_839, %broadcast_in_dim3A_842, %broadcast_in_dim3A_843 : vector<66x200xi1>, vector<66x200xf32>
    %dot_general3A_845 = arith.constant dense<0.000000e+00> : vector<64x200xf32>
    %dot_general3A_846 = tpu.matmul %get3A_1, %select_n3A_844, %dot_general3A_845 {dimension_numbers = #tpu.dot_dimension_numbers<[1], [0], [0], [1], [0, 0, 1, 1], [], []>, transpose_lhs_hint = false} : vector<64x66xf32>, vector<66x200xf32>, vector<64x200xf32> -> vector<64x200xf32>
    %swap3A_847 = arith.constant 0 : index
    %swap3A_848 = arith.constant 38 : index
    %swap3A_849 = arith.constant 0 : index
    %swap3A_850 = arith.constant 0 : index
    %swap3A_851 = vector.load %arg4[%swap3A_847, %swap3A_848, %swap3A_849, %swap3A_850] : memref<1x40x64x200xf32, #tpu.memory_space<vmem>>, vector<1x1x64x200xf32>
    %swap3A_852 = vector.shape_cast %swap3A_851 : vector<1x1x64x200xf32> to vector<64x200xf32>
    %swap3A_853 = vector.shape_cast %dot_general3A_846 : vector<64x200xf32> to vector<1x1x64x200xf32>
    tpu.vector_store %arg4[%swap3A_847, %swap3A_848, %swap3A_849, %swap3A_850], %swap3A_853 {strides = array<i32>} : memref<1x40x64x200xf32, #tpu.memory_space<vmem>>, vector<1x1x64x200xf32>,
    %get3A_854 = arith.constant 0 : index
    %get3A_855 = arith.constant 39 : index
    %get3A_856 = arith.constant 0 : index
    %get3A_857 = vector.load %arg2[%get3A_854, %get3A_855, %get3A_856] : memref<1x40x200xi32, #tpu.memory_space<vmem>>, vector<1x1x200xi32>
    %get3A_858 = vector.shape_cast %get3A_857 : vector<1x1x200xi32> to vector<200xi32>
    %broadcast_in_dim3A_859 = vector.shape_cast %get3A_858 : vector<200xi32> to vector<1x200xi32>
    %eq3A_860 = vector.broadcast %broadcast_in_dim3A_859 : vector<1x200xi32> to vector<66x200xi32>
    %eq3A_861 = arith.cmpi eq, %eq3A_860, %iota3A : vector<66x200xi32>
    %jit3A_862 = arith.constant 1.000000e+00 : f32
    %jit3A_863 = arith.constant 0.000000e+00 : f32
    %broadcast_in_dim3A_864 = vector.broadcast %jit3A_862 : f32 to vector<66x200xf32>
    %broadcast_in_dim3A_865 = vector.broadcast %jit3A_863 : f32 to vector<66x200xf32>
    %select_n3A_866 = arith.select %eq3A_861, %broadcast_in_dim3A_864, %broadcast_in_dim3A_865 : vector<66x200xi1>, vector<66x200xf32>
    %dot_general3A_867 = arith.constant dense<0.000000e+00> : vector<64x200xf32>
    %dot_general3A_868 = tpu.matmul %get3A_1, %select_n3A_866, %dot_general3A_867 {dimension_numbers = #tpu.dot_dimension_numbers<[1], [0], [0], [1], [0, 0, 1, 1], [], []>, transpose_lhs_hint = false} : vector<64x66xf32>, vector<66x200xf32>, vector<64x200xf32> -> vector<64x200xf32>
    %swap3A_869 = arith.constant 0 : index
    %swap3A_870 = arith.constant 39 : index
    %swap3A_871 = arith.constant 0 : index
    %swap3A_872 = arith.constant 0 : index
    %swap3A_873 = vector.load %arg4[%swap3A_869, %swap3A_870, %swap3A_871, %swap3A_872] : memref<1x40x64x200xf32, #tpu.memory_space<vmem>>, vector<1x1x64x200xf32>
    %swap3A_874 = vector.shape_cast %swap3A_873 : vector<1x1x64x200xf32> to vector<64x200xf32>
    %swap3A_875 = vector.shape_cast %dot_general3A_868 : vector<64x200xf32> to vector<1x1x64x200xf32>
    tpu.vector_store %arg4[%swap3A_869, %swap3A_870, %swap3A_871, %swap3A_872], %swap3A_875 {strides = array<i32>} : memref<1x40x64x200xf32, #tpu.memory_space<vmem>>, vector<1x1x64x200xf32>,
    return
  }
  func.func @transform_0(%arg0: i32, %arg1: i32) -> (i32, i32, i32) {
    %c0_i32 = arith.constant 0 : i32
    %c0_i32_0 = arith.constant 0 : i32
    return %arg0, %arg1, %c0_i32 : i32, i32, i32
  }
  func.func @transform_1(%arg0: i32, %arg1: i32) -> (i32, i32) {
    %c0_i32 = arith.constant 0 : i32
    %c0_i32_0 = arith.constant 0 : i32
    %c0_i32_1 = arith.constant 0 : i32
    return %c0_i32, %c0_i32_0 : i32, i32
  }
  func.func @transform_2(%arg0: i32, %arg1: i32) -> (i32, i32, i32, i32) {
    %c0_i32 = arith.constant 0 : i32
    %c0_i32_0 = arith.constant 0 : i32
    %c0_i32_1 = arith.constant 0 : i32
    return %arg0, %arg1, %c0_i32, %c0_i32_0 : i32, i32, i32, i32
  }
}

</mosaic_0001>

<sc_bundles>
// kernel: kernel.4.cloned.1.call-start
scs
__scs_entry_jumppad:
0x0: {  	(pc) =	sbr.rel $0x88, $3  }
0x1: {  	(tag) =	ssettag $0x0;
	lr =	simm.s32 $0x1  }
0x2: {  	[smem:$0x3F9F] =	sst lr;
	_ =	strace $0xD0000000  }
0x3: {  	_ = 	snop  }
0x4: {  	_ = 	snop  }
0x5: {  	_ = 	snop  }
0x6: {  	_ = 	snop  }
0x7: {  	_ = 	snop  }
__scs_overlays_trampoline_lowered:
0x8: {  	[smem:$0x3FAE] =	sst s0  }
0x9: {  	[smem:$0x3FAF] =	sst s1  }
0xa: {  	[smem:$0x3FB0] =	sst s2  }
0xb: {  	[smem:$0x3FB1] =	sst s3  }
0xc: {  	[smem:$0x3FB2] =	sst s4  }
0xd: {  	[smem:$0x3FB3] =	sst s5  }
0xe: {  	[smem:$0x3FB4] =	sst s6  }
0xf: {  	[smem:$0x3FB5] =	sst s7  }
0x10: {  	[smem:$0x3FB6] =	sst s8  }
0x11: {  	[smem:$0x3FB7] =	sst s9;
	s0 =	simm.s32 @!p0 $0x0  }
0x12: {  	s1 =	sld [smem:$0x3F9D];
	s0 =	simm.s32 @p0 $0x1  }
0x13: {  	[smem:$0x3FB8] =	sst s0;
	s0 =	simm.s32 @!p1 $0x0  }
0x14: {  	s2 =	sld [smem:$0x3F9C];
	s0 =	simm.s32 @p1 $0x1  }
0x15: {  	[smem:$0x3FB9] =	sst s0;
	s0 =	simm.s32 @!p2 $0x0  }
0x16: {  	s3 =	sld [smem:$0x3FDB];
	s0 =	simm.s32 @p2 $0x1  }
0x17: {  	s4 =	simm.s32 $0x1BF5;
	[smem:$0x3FBB] =	sst s0  }
0x18: {  	s0 =	sld [smem:$0x3F9E];
	_ =	swait.ge [sflag:s4], $0x0  }
0x19: {  	s7 =	sld [smem:$0x3F9F]  }
0x1a: {  	s8 =	sadd.s32 $0xFFFFE003, lr  }
0x1b: {  	s9 =	sadd.s32 $0xFFFFFEF7, lr;
	s5 =	simm.s32 $0xFFFFFFFF;
	p2 =	slt.u32 s8, $0xFFFFF086  }
0x1c: {  	p1 =	slt.u32 s9, $0xF7A;
	s5 =	simm.s32 @!p2 $0x0  }
0x1d: {  	s5 =	simm.s32 @p1 $0x1;
	p0 =	seq.s32 s7, s2  }
0x1e: {  	s7 =	smul.u32 @!p0 $0xF7A, s2;
	p2 =	seq.s32 @!p0 s5, $0x0  }
0x1f: {  	s9 =	smul.u32 $0xF7A, s1;
	s8 =	simm.s32 @!p0 $0x1BF5;
	p2 =	por !p2, p0  }
0x20: {  	[sflag:s8] =	ssyncset.s32 @!p0 $0xFFFFF086;
	s6 =	sadd.s32 @!p0 s3, s7;
	s7 =	simm.s32 @!p0 $0x108  }
0x21: {  	s3 =	sadd.s32 s3, s9;
	s6 =	sadd.s32 @!p0 $0x88, s6;
	s7 =	simm.s32 @p2 $0x1082  }
0x22: {  	[simem:s7], [sflag:s8] =	dma.local @!p0 [hbm:s6], $0xF7A  }
0x23: {  	s9 =	sor.u32 $0xD0000000, s2;
	s6 =	simm.s32 $0x108;
	_ =	swait.ge @!p0 [sflag:s8], $0x0  }
0x24: {  	s3 =	sadd.s32 $0x88, s3;
	s6 =	simm.s32 @!p1 $0x1082;
	[sflag:s4] =	ssyncset.s32 $0xFFFFF086  }
0x25: {  	[simem:s6], [sflag:s4] =	dma.local [hbm:s3], $0xF7A  }
0x26: {  	[smem:$0x3F9F] =	sst s1;
	(tag) =	ssettag s2;
	_ =	strace s9  }
0x27: {  	s1 =	sld [smem:$0x3FAF]  }
0x28: {  	s2 =	sld [smem:$0x3FB0]  }
0x29: {  	s4 =	sld [smem:$0x3FB2]  }
0x2a: {  	p0 =	seq.s32 s5, $0x0;
	s5 =	sld [smem:$0x3FB3]  }
0x2b: {  	s6 =	sld [smem:$0x3FB4]  }
0x2c: {  	s7 =	sld [smem:$0x3FB5]  }
0x2d: {  	s3 =	simm.s32 $0x108;
	s8 =	sld [smem:$0x3FB6]  }
0x2e: {  	s3 =	simm.s32 @!p0 $0x1082;
	s9 =	sld [smem:$0x3FB7]  }
0x2f: {  	lr =	sadd.s32 s0, s3;
	s0 =	sld [smem:$0x3FAE]  }
0x30: {  	s3 =	sld [smem:$0x3FB1]  }
0x31: {  	[smem:$0x3FBA] =	sst s10  }
0x32: {  	s10 =	sld [smem:$0x3FB8];
	_ =	sdelay $0x3  }
0x33: {  	p0 =	seq.s32 s10, $0x1;
	s10 =	sld [smem:$0x3FBA];
	_ =	sdelay $0x3  }
0x34: {  	[smem:$0x3FBA] =	sst s10  }
0x35: {  	s10 =	sld [smem:$0x3FB9];
	_ =	sdelay $0x3  }
0x36: {  	p1 =	seq.s32 s10, $0x1;
	s10 =	sld [smem:$0x3FBA];
	_ =	sdelay $0x3  }
0x37: {  	[smem:$0x3FBA] =	sst s10  }
0x38: {  	s10 =	sld [smem:$0x3FBB]  }
0x39: {  	_ = 	snop;
	(pc) =	sbr.ind lr, $3  }
0x3a: {  	_ = 	snop  }
0x3b: {  	_ = 	snop  }
0x3c: {  	p2 =	seq.s32 s10, $0x1;
	s10 =	sld [smem:$0x3FBA]  }
0x3d: {  	_ =	shalt  }
0x3e: {  	_ =	shalt  }
0x3f: {  	_ =	shalt  }
0x40: {  	_ =	shalt  }
0x41: {  	_ =	shalt  }
0x42: {  	_ =	shalt  }
0x43: {  	_ =	shalt  }
0x44: {  	_ =	shalt  }
0x45: {  	_ =	shalt  }
0x46: {  	_ =	shalt  }
0x47: {  	_ =	shalt  }
0x48: {  	_ =	shalt  }
0x49: {  	_ =	shalt  }
0x4a: {  	_ =	shalt  }
0x4b: {  	_ =	shalt  }
0x4c: {  	_ =	shalt  }
0x4d: {  	_ =	shalt  }
0x4e: {  	_ =	shalt  }
0x4f: {  	_ =	shalt  }
0x50: {  	_ =	shalt  }
0x51: {  	_ =	shalt  }
0x52: {  	_ =	shalt  }
0x53: {  	_ =	shalt  }
0x54: {  	_ =	shalt  }
0x55: {  	_ =	shalt  }
0x56: {  	_ =	shalt  }
0x57: {  	_ =	shalt  }
0x58: {  	_ =	shalt  }
0x59: {  	_ =	shalt  }
0x5a: {  	_ =	shalt  }
0x5b: {  	_ =	shalt  }
0x5c: {  	_ =	shalt  }
0x5d: {  	_ =	shalt  }
0x5e: {  	_ =	shalt  }
0x5f: {  	_ =	shalt  }
0x60: {  	_ =	shalt  }
0x61: {  	_ =	shalt  }
0x62: {  	_ =	shalt  }
0x63: {  	_ =	shalt  }
0x64: {  	_ =	shalt  }
0x65: {  	_ =	shalt  }
0x66: {  	_ =	shalt  }
0x67: {  	_ =	shalt  }
0x68: {  	_ =	shalt  }
0x69: {  	_ =	shalt  }
0x6a: {  	_ =	shalt  }
0x6b: {  	_ =	shalt  }
0x6c: {  	_ =	shalt  }
0x6d: {  	_ =	shalt  }
0x6e: {  	_ =	shalt  }
0x6f: {  	_ =	shalt  }
0x70: {  	_ =	shalt  }
0x71: {  	_ =	shalt  }
0x72: {  	_ =	shalt  }
0x73: {  	_ =	shalt  }
0x74: {  	_ =	shalt  }
0x75: {  	_ =	shalt  }
0x76: {  	_ =	shalt  }
0x77: {  	_ =	shalt  }
0x78: {  	_ =	shalt  }
0x79: {  	_ =	shalt  }
0x7a: {  	_ =	shalt  }
0x7b: {  	_ =	shalt  }
0x7c: {  	_ =	shalt  }
0x7d: {  	_ =	shalt  }
0x7e: {  	_ =	shalt  }
0x7f: {  	_ =	shalt  }
0x80: {  	_ =	shalt  }
0x81: {  	_ =	shalt  }
0x82: {  	_ =	shalt  }
0x83: {  	_ =	shalt  }
0x84: {  	_ =	shalt  }
0x85: {  	_ =	shalt  }
0x86: {  	_ =	shalt  }
0x87: {  	_ =	shalt  }
.Lfunc_end0:
.L_simem_size_0:
called_computation_lowered:
.L_overlay_start_0:
0x88: {  	s2 =	sld [smem:$0x3FD9]  }
0x89: {  	s3 =	sld [smem:$0x3FFE];
	_ =	sdelay $0x1  }
0x8a: {  	s1 =	srdreg.scid  }
0x8b: {  	s0 =	sand.u32 $0x1, s1  }
0x8c: {  	s15 =	sshll.u32 s0, $0xA;
	s2 =	sadd.s32 s3, s2  }
0x8d: {  	s2 =	sadd.s32 s2, s15  }
0x8e: {  	[smem:$0x3FC6] =	sst s2  }
0x8f: {  	_ = 	snop  }
0x90: {  	s2 =	sld [smem:$0x3FD0];
	_ =	sdelay $0x1  }
0x91: {  	s16 =	sld [smem:$0x3FC9]  }
0x92: {  	s5 =	simm.s32 $0xA;
	s6 =	simm.s32 $0x10;
	s4 =	sld [smem:$0x3FC8]  }
0x93: {  	[smem:s6], [sflag:s5] =	dma.local [hbm:s2], $0x1  }
0x94: {  	_ =	swait.eq [sflag:s5], $0x1  }
0x95: {  	[sflag:s5] =	ssyncset.done $0x0  }
0x96: {  	[sflag:s5] =	ssyncadd.s32 $0xFFFFFFFF  }
0x97: {  	s17 =	sld [smem:$0x10];
	(tm) =	ssettm $0x1  }
0x98: {  	s18 =	sld [smem:$0x3FFB];
	_ =	sdelay $0x3  }
0x99: {  	_ =	strace s18  }
0x9a: {  	s5 =	sld [smem:$0x3FFC];
	_ =	sdelay $0x3  }
0x9b: {  	_ =	strace s5  }
0x9c: {  	s5 =	sld [smem:$0x3FFD];
	_ =	sdelay $0x3  }
0x9d: {  	_ =	strace s5  }
0x9e: {  	_ =	strace $0x8FFFFFFF  }
0x9f: {  	s19 =	sld [smem:$0x3FDB];
	_ =	sdelay $0x1  }
0xa0: {  	s20 =	simm.s32 $_scs_section_size  }
0xa1: {  	s7 =	simm.s32 $_size__tile_overlayer_lowered;
	s8 =	simm.s32 $_tile_overlayer_lowered  }
0xa2: {  	s23 =	simm.s32 $0x1BFF;
	s22 =	sshll.u32 s8, $0x1;
	s5 =	sadd.s32 s20, s19  }
0xa3: {  	s9 =	simm.s32 $0x0;
	s21 =	sshll.u32 s7, $0x1;
	s7 =	sadd.s32 s22, s5  }
0xa4: {  	[timem:s9], [sflag:s23] =	dma.local [hbm:s7], s21  }
0xa5: {  	_ =	swait.ge [sflag:s23], s21  }
0xa6: {  	s6 =	ssub.s32 $0x0, s21;
	[sflag:s23] =	ssyncset.done $0x0  }
0xa7: {  	[sflag:s23] =	ssyncadd.s32 s6;
	_ =	sdelay $0x1  }
0xa8: {  	s24 =	simm.s32 $0x1B8B  }
0xa9: {  	_ =	swait.ge [sflag:s24], $0x1  }
0xaa: {  	[sflag:s24] =	ssyncset.done $0x0  }
0xab: {  	s25 =	simm.s32 $0x1B8E;
	[sflag:s24] =	ssyncadd.s32 $0xFFFFFFFF  }
0xac: {  	s26 =	simm.s32 $execute0_lowered;
	[smem:$0x3FD2] =	sst s25  }
0xad: {  	s6 =	sshll.u32 s26, $0x1;
	_ =	strace $0x80000046;
	[dreg:$0x1] =	wrdreg $0xFFFFFFFF  }
0xae: {  	s28 =	simm.s32 $_size_execute0_lowered;
	s5 =	sadd.s32 s5, s6;
	[dreg:$0x0] =	wrdreg $0x0  }
0xaf: {  	s6 =	sshll.u32 s28, $0x1;
	[dreg:$0x2] =	wrdreg s5  }
0xb0: {  	[dreg:$0x3] =	wrdreg s6  }
0xb1: {  	[dreg:$0x4] =	wrdreg $0xC0  }
0xb2: {  	_ =	task [dreg:s9], $0x5FFFF  }
0xb3: {  	[dreg:$0x1] =	wrdreg $0xFFFFFFFF  }
0xb4: {  	[dreg:$0x0] =	wrdreg $0x60  }
0xb5: {  	[dreg:$0x2] =	wrdreg s16  }
0xb6: {  	[dreg:$0x3] =	wrdreg s4  }
0xb7: {  	[dreg:$0x4] =	wrdreg s17  }
0xb8: {  	[dreg:$0x5] =	wrdreg $0x9  }
0xb9: {  	_ =	task.clear_ibuf [dreg:s9], $0x6FFFF;
	_ =	strace $0x90000046  }
0xba: {  	s29 =	simm.s32 $0x9;
	_ =	strace $0x80000048  }
0xbb: {  	_ =	swait.ge [sflag:s29], $0x1  }
0xbc: {  	[sflag:s29] =	ssyncadd.s32 $0xFFFFFFFF  }
0xbd: {  	_ =	strace $0x90000048  }
0xbe: {  	_ =	sfence  }
0xbf: {  	s30 =	sld [smem:$0x0];
	_ =	sdelay $0x2  }
0xc0: {  	s31 =	sshll.u32 s1, $0xD;
	s1 =	sshrl.u32 s1, $0x2  }
0xc1: {  	s3 =	sand.u32 $0x4000, s31;
	s1 =	sadd.s32 s1, s30  }
0xc2: {  	s0 =	sor.u32 s3, s0;
	s1 =	sshll.u32 s1, $0x11  }
0xc3: {  	s0 =	sor.u32 s1, s0  }
0xc4: {  	s0 =	sadd.s32 $0x8F2B, s0  }
0xc5: {  	[sflag:s0] =	ssyncadd.remote.s32 $0x1  }
0xc6: {  	_ =	sfence.sel $0xFFFF  }
0xc7: {  	[dreg:$0x0] =	wrdreg $0xFFFFFFFF;
	(pc) =	sbr.abs _section_cstart, $3  }
0xc8: {  	[dreg:$0x1] =	wrdreg $0xFFFFFFFF  }
0xc9: {  	_ =	task.clear_ibuf [dreg:s9], $0x2FFFF;
	_ =	strace $0x9FFFFFFF  }
0xca: {  	(tm) =	ssettm $0x7FFFFFFF  }
0xcb: {  	_ =	shalt  }
tec
execute0_lowered:
.L_overlay_start_1:
0x0: {  	(tag) =	ssettag $0x1  }
0x1: {  	s0 =	srdreg.scid;
	s4 =	stileid.u32  }
0x2: {  	s0 =	sand.u32 $0x1, s0;
	s1 =	sshll.u32 s4, $0x1  }
0x3: {  	s2 =	rddreg [dreg:$0x0];
	s1 =	sor.u32 s0, s1  }
0x4: {  	s5 =	rddreg [dreg:$0x2];
	s3 =	smul.u32 $0x2008, s1  }
0x5: {  	s6 =	simm.s32 $0x0;
	s13 =	simm.s32 $0x3680;
	s1 =	smul.u32 $0x19, s1  }
0x6: {  	s14 =	simm.s32 $0x3500;
	s16 =	simm.s32 $0x3700;
	s17 =	simm.s32 $0x2400  }
0x7: {  	s18 =	simm.s32 $0x6;
	s19 =	simm.s32 $0x7;
	s7 =	sadd.s32 $0x1, s1  }
0x8: {  	s20 =	simm.s32 $0x8;
	s9 =	sshrl.u32 s4, $0x2;
	s8 =	smul.u32 $0x51F, s7  }
0x9: {  	s21 =	simm.s32 $0x5;
	s9 =	smul.u32 $0xC800, s9;
	s3 =	sshrl.u32 s3, $0x10  }
0xa: {  	s22 =	simm.s32 $0x0;
	s3 =	smul.u32 $0xC8, s3;
	s8 =	sshrl.u32 s8, $0x12  }
0xb: {  	[smem:$0x7FF] =	sst s6;
	s0 =	ssub.s32 $0x2, s0;
	s11 =	smul.u32 $0xC8, s8  }
0xc: {  	_ =	strace $0x80000047;
	s30 =	sshrl.u32 s0, $0x1;
	s3 =	ssub.s32 s1, s3  }
0xd: {  	s10 =	sshll.u32 s3, $0x8;
	s3 =	sshll.u32 s3, $0x7;
	s7 =	ssub.s32 s7, s11  }
0xe: {  	s8 =	smul.u32 $0xC800, s8;
	s10 =	sand.u32 $0xF800, s10;
	s29 =	sshll.u32 s7, $0x8  }
0xf: {  	s9 =	sadd.s32 s9, s10;
	s7 =	sshll.u32 s7, $0x7;
	s10 =	sand.u32 $0xF800, s29  }
0x10: {  	v0 =	vlaneseq.u32;
	s3 =	sand.u32 $0x380, s3;
	s7 =	sand.u32 $0x380, s7;
	s8 =	sadd.s32 s8, s10  }
0x11: {  	v0 =	vmul.u32 $0x80, v0;
	s0 =	ssub.s32 s0, s30;
	s3 =	sor.u32 s3, s9;
	s8 =	sor.u32 s7, s8  }
0x12: {  	s11 =	simm.s32 $0x3480;
	s3 =	sshrl.u32 s3, $0x3;
	s31 =	sshrl.u32 s8, $0x3  }
0x13: {  	v1 =	vor.u32 $0x800, v0;
	s9 =	smax.u32 s0, $0x1;
	s7 =	sadd.s32 s2, s3;
	s8 =	sadd.s32 s2, s31  }
0x14: {  	v2 =	vor.u32 $0x1000, v0;
	v3 =	vor.u32 $0x1800, v0;
	v4 =	vadd.s32 $0x1900, v0;
	s10 =	simm.s32 $0x9;
	s12 =	sadd.s32 $0x80, s7;
	s15 =	sadd.s32 $0x80, s8  }
.LBB2_1:
0x15: {  	s0 =	rddreg [dreg:$0x1]  }
0x16: {  	[tilespmem:s6], [sflag:$0x9] =	stream.linear.gather [hbm4b:s0+s6], $0x2100, $0x38;
	[tilespmem:$0x13880] =	vst v63  }
0x17: {  	_ =	swait.ge [sflag:s10], $0x2100  }
0x18: {  	v5 =	vmov s6;
	[sflag:s10] =	ssyncset.done $0x0  }
0x19: {  	v5 =	vand.u32 $0x7E, v5;
	[sflag:s10] =	ssyncadd.s32 $0xFFFFDF00  }
0x1a: {  	v5 =	vbroadcast v5, $0x0;
	[tilespmem:s11], [sflag:$0x1] =	stream.linear.gather [hbm4b:s7+s6], $0x80, $0x38;
	[tilespmem:$0x13880] =	vst v63  }
0x1b: {  	_ = 	snop  }
0x1c: {  	v6 =	vor.u32 v0, v5;
	[tilespmem:s13], [sflag:$0x1] =	stream.linear.gather [hbm4b:s12+s6], $0x80, $0x38;
	[tilespmem:$0x13880] =	vst v63  }
0x1d: {  	_ = 	snop  }
0x1e: {  	[tilespmem:s14], [sflag:$0x2] =	stream.linear.gather [hbm4b:s8+s6], $0x80, $0x38;
	[tilespmem:$0x13880] =	vst v63  }
0x1f: {  	_ = 	snop  }
0x20: {  	[tilespmem:s16], [sflag:$0x2] =	stream.linear.gather [hbm4b:s15+s6], $0x80, $0x38;
	[tilespmem:$0x13880] =	vst v63  }
0x21: {  	v6 =	vld.idx.msk [tilespmem:v6+s6+$0x0], $0xffff  }
0x22: {  	v7 =	vor.u32 v1, v5;
	_ =	sdelay $0x2  }
0x23: {  	s24 =	simm.s32 $0x2442  }
0x24: {  	[tilespmem:s24+$0xFFFFFFBE] =	vst v6  }
0x25: {  	v6 =	vld.idx.msk [tilespmem:v7+s6+$0x0], $0xffff  }
0x26: {  	v7 =	vor.u32 v2, v5;
	_ =	sdelay $0x3  }
0x27: {  	[tilespmem:s24+$0xFFFFFFCE] =	vst v6  }
0x28: {  	v6 =	vld.idx.msk [tilespmem:v7+s6+$0x0], $0xffff  }
0x29: {  	v7 =	vor.u32 v3, v5;
	_ =	sdelay $0x3  }
0x2a: {  	[tilespmem:s24+$0xFFFFFFDE] =	vst v6  }
0x2b: {  	v6 =	vld.idx.msk [tilespmem:v7+s6+$0x0], $0xffff  }
0x2c: {  	v5 =	vor.u32 v4, v5  }
0x2d: {  	s31 =	simm.s32 $0x1  }
0x2e: {  	v7 =	vmov s31  }
0x2f: {  	v7 =	vand.u32 $0x7F, v7  }
0x30: {  	v7 =	vbroadcast v7, $0x0;
	[tilespmem:s24+$0xFFFFFFEE] =	vst v6  }
0x31: {  	v5 =	vld.idx.msk [tilespmem:v5+s6+$0x0], $0xffff  }
0x32: {  	v6 =	vor.u32 v0, v7;
	_ =	sdelay $0x3  }
0x33: {  	[tilespmem:s24+$0xFFFFFFF0] =	vst v5  }
0x34: {  	v5 =	vld.idx.msk [tilespmem:v6+s6+$0x0], $0xffff  }
0x35: {  	v6 =	vor.u32 v1, v7;
	_ =	sdelay $0x3  }
0x36: {  	[tilespmem:s24+$0x0] =	vst v5  }
0x37: {  	v5 =	vld.idx.msk [tilespmem:v6+s6+$0x0], $0xffff  }
0x38: {  	v6 =	vor.u32 v2, v7;
	_ =	sdelay $0x3  }
0x39: {  	[tilespmem:s24+$0x10] =	vst v5  }
0x3a: {  	v5 =	vld.idx.msk [tilespmem:v6+s6+$0x0], $0xffff  }
0x3b: {  	v6 =	vor.u32 v3, v7;
	_ =	sdelay $0x3  }
0x3c: {  	[tilespmem:s24+$0x20] =	vst v5  }
0x3d: {  	v6 =	vld.idx.msk [tilespmem:v6+s6+$0x0], $0xffff  }
0x3e: {  	v5 =	vor.u32 v4, v7;
	_ =	sdelay $0x1  }
0x3f: {  	s25 =	simm.s32 $0x2  }
0x40: {  	s26 =	simm.s32 $0x4;
	s23 =	simm.s32 $0x0;
	v7 =	vmov s25  }
.LBB2_2:
0x41: {  	p0 =	slt.u32 s26, $0x3E;
	v7 =	vand.u32 $0x7E, v7;
	[tilespmem:s24+$0x30] =	vst v6  }
0x42: {  	v6 =	vbroadcast v7, $0x0;
	v5 =	vld.idx.msk [tilespmem:v5+s23+$0x0], $0xffff;
	_ =	sdelay $0x1  }
0x43: {  	v7 =	vor.u32 v0, v6;
	_ =	sdelay $0x3  }
0x44: {  	s23 =	simm.s32 $0x0;
	[tilespmem:s24+$0x32] =	vst v5  }
0x45: {  	v5 =	vld.idx.msk [tilespmem:v7+s23+$0x0], $0xffff;
	_ =	sdelay $0x1  }
0x46: {  	v7 =	vor.u32 v1, v6;
	_ =	sdelay $0x2  }
0x47: {  	s24 =	sadd.s32 $0x84, s24  }
0x48: {  	[tilespmem:s24+$0xFFFFFFBE] =	vst v5  }
0x49: {  	v5 =	vld.idx.msk [tilespmem:v7+s23+$0x0], $0xffff;
	_ =	sdelay $0x1  }
0x4a: {  	v7 =	vor.u32 v2, v6;
	_ =	sdelay $0x3  }
0x4b: {  	[tilespmem:s24+$0xFFFFFFCE] =	vst v5  }
0x4c: {  	v5 =	vld.idx.msk [tilespmem:v7+s23+$0x0], $0xffff;
	_ =	sdelay $0x1  }
0x4d: {  	v7 =	vor.u32 v3, v6;
	_ =	sdelay $0x3  }
0x4e: {  	[tilespmem:s24+$0xFFFFFFDE] =	vst v5  }
0x4f: {  	v5 =	vld.idx.msk [tilespmem:v7+s23+$0x0], $0xffff;
	_ =	sdelay $0x1  }
0x50: {  	v6 =	vor.u32 v4, v6;
	_ =	sdelay $0x1  }
0x51: {  	s0 =	sadd.s32 $0x1, s25;
	s25 =	smov.u32 s26  }
0x52: {  	v7 =	vmov s0  }
0x53: {  	[tilespmem:s24+$0xFFFFFFEE] =	vst v5;
	v5 =	vand.u32 $0x7F, v7  }
0x54: {  	v6 =	vld.idx.msk [tilespmem:v6+s23+$0x0], $0xffff;
	v5 =	vbroadcast v5, $0x0;
	_ =	sdelay $0x1  }
0x55: {  	v7 =	vor.u32 v0, v5;
	_ =	sdelay $0x3  }
0x56: {  	[tilespmem:s24+$0xFFFFFFF0] =	vst v6  }
0x57: {  	v6 =	vld.idx.msk [tilespmem:v7+s23+$0x0], $0xffff;
	_ =	sdelay $0x1  }
0x58: {  	v7 =	vor.u32 v1, v5;
	_ =	sdelay $0x3  }
0x59: {  	[tilespmem:s24+$0x0] =	vst v6  }
0x5a: {  	v6 =	vld.idx.msk [tilespmem:v7+s23+$0x0], $0xffff;
	_ =	sdelay $0x1  }
0x5b: {  	v7 =	vor.u32 v2, v5;
	_ =	sdelay $0x3  }
0x5c: {  	[tilespmem:s24+$0x10] =	vst v6  }
0x5d: {  	v6 =	vld.idx.msk [tilespmem:v7+s23+$0x0], $0xffff;
	_ =	sdelay $0x1  }
0x5e: {  	v7 =	vor.u32 v3, v5;
	_ =	sdelay $0x3  }
0x5f: {  	[tilespmem:s24+$0x20] =	vst v6  }
0x60: {  	v6 =	vld.idx.msk [tilespmem:v7+s23+$0x0], $0xffff  }
.Ltmp0:
0x61: {  	(pc) =	sbr.rel @p0 .LBB2_2-.Ltmp0, $2  }
0x62: {  	v5 =	vor.u32 v4, v5;
	_ =	sdelay $0x2  }
0x63: {  	s26 =	sadd.s32 $0x2, s26;
	v7 =	vmov s25  }
0x64: {  	_ =	sdelay $0x1  }
0x65: {  	v7 =	vand.u32 $0x7E, v7  }
0x66: {  	[tilespmem:s24+$0x30] =	vst v6;
	v6 =	vbroadcast v7, $0x0  }
0x67: {  	v5 =	vld.idx.msk [tilespmem:v5+s23+$0x0], $0xffff  }
0x68: {  	v7 =	vor.u32 v0, v6;
	_ =	sdelay $0x3  }
0x69: {  	[tilespmem:s24+$0x32] =	vst v5  }
0x6a: {  	v5 =	vld.idx.msk [tilespmem:v7+s23+$0x0], $0xffff  }
0x6b: {  	v7 =	vor.u32 v1, v6;
	_ =	sdelay $0x2  }
0x6c: {  	s0 =	sadd.s32 $0x84, s24  }
0x6d: {  	[tilespmem:s0+$0xFFFFFFBE] =	vst v5  }
0x6e: {  	v5 =	vld.idx.msk [tilespmem:v7+s23+$0x0], $0xffff  }
0x6f: {  	v7 =	vor.u32 v2, v6;
	_ =	sdelay $0x3  }
0x70: {  	[tilespmem:s0+$0xFFFFFFCE] =	vst v5  }
0x71: {  	v5 =	vld.idx.msk [tilespmem:v7+s23+$0x0], $0xffff  }
0x72: {  	v7 =	vor.u32 v3, v6;
	_ =	sdelay $0x3  }
0x73: {  	[tilespmem:s0+$0xFFFFFFDE] =	vst v5  }
0x74: {  	v5 =	vld.idx.msk [tilespmem:v7+s23+$0x0], $0xffff  }
0x75: {  	v6 =	vor.u32 v4, v6  }
0x76: {  	s3 =	sadd.s32 $0x1, s25  }
0x77: {  	v7 =	vmov s3  }
0x78: {  	v7 =	vand.u32 $0x7F, v7  }
0x79: {  	[tilespmem:s0+$0xFFFFFFEE] =	vst v5;
	v5 =	vbroadcast v7, $0x0  }
0x7a: {  	v6 =	vld.idx.msk [tilespmem:v6+s23+$0x0], $0xffff  }
0x7b: {  	v7 =	vor.u32 v0, v5;
	_ =	sdelay $0x3  }
0x7c: {  	[tilespmem:s0+$0xFFFFFFF0] =	vst v6  }
0x7d: {  	v6 =	vld.idx.msk [tilespmem:v7+s23+$0x0], $0xffff  }
0x7e: {  	v7 =	vor.u32 v1, v5;
	_ =	sdelay $0x3  }
0x7f: {  	[tilespmem:s0+$0x0] =	vst v6  }
0x80: {  	v6 =	vld.idx.msk [tilespmem:v7+s23+$0x0], $0xffff  }
0x81: {  	v7 =	vor.u32 v2, v5;
	_ =	sdelay $0x3  }
0x82: {  	[tilespmem:s0+$0x10] =	vst v6  }
0x83: {  	v6 =	vld.idx.msk [tilespmem:v7+s23+$0x0], $0xffff  }
0x84: {  	v7 =	vor.u32 v3, v5;
	_ =	sdelay $0x3  }
0x85: {  	[tilespmem:s0+$0x20] =	vst v6  }
0x86: {  	v6 =	vld.idx.msk [tilespmem:v7+s23+$0x0], $0xffff  }
0x87: {  	v5 =	vor.u32 v4, v5;
	_ =	sdelay $0x3  }
0x88: {  	[tilespmem:s0+$0x30] =	vst v6  }
0x89: {  	v5 =	vld.idx.msk [tilespmem:v5+s23+$0x0], $0xffff;
	_ =	sdelay $0x4  }
0x8a: {  	s24 =	simm.s32 $0x0;
	[tilespmem:s0+$0x32] =	vst v5  }
.LBB2_4:
0x8b: {  	s25 =	sand.u32 $0x3, s24;
	p0 =	slt.u32 s24, $0x4  }
0x8c: {  	s0 =	sadd.s32 @!p0 $0x5, s25  }
0x8d: {  	_ =	swait.ge @!p0 [sflag:s0], $0x4000  }
0x8e: {  	[sflag:s0] =	ssyncset.done @!p0 $0x0  }
0x8f: {  	s3 =	sadd.s32 $0x1, s25;
	[sflag:s0] =	ssyncadd.s32 @!p0 $0xFFFFC000  }
0x90: {  	_ =	swait.ge [sflag:s3], $0x100  }
0x91: {  	[sflag:s3] =	ssyncset.done $0x0  }
0x92: {  	s4 =	sshll.u32 s25, $0x7;
	[sflag:s3] =	ssyncadd.s32 $0xFFFFFF00  }
0x93: {  	v5 =	vld [tilespmem:s4+$0x3480]  }
0x94: {  	v6 =	vld [tilespmem:s4+$0x3490]  }
0x95: {  	v7 =	vld [tilespmem:s4+$0x34A0]  }
0x96: {  	v8 =	vld [tilespmem:s4+$0x34B0]  }
0x97: {  	v9 =	vld [tilespmem:s4+$0x34C0]  }
0x98: {  	v10 =	vld [tilespmem:s4+$0x34D0]  }
0x99: {  	s29 =	sadd.s32 s1, s24;
	v11 =	vld [tilespmem:s4+$0x34E0]  }
0x9a: {  	s3 =	smulhi.u32 $0x51EB851F, s29;
	v12 =	vld [tilespmem:s4+$0x34F0]  }
0x9b: {  	v13 =	vld [tilespmem:s4+$0x3680]  }
0x9c: {  	v14 =	vld [tilespmem:s4+$0x3690];
	s26 =	sshrl.u32 s3, $0x6  }
0x9d: {  	v15 =	vld [tilespmem:s4+$0x36A0];
	s3 =	smul.u32 $0xC8, s26  }
0x9e: {  	s30 =	simm.s32 $0xFFFFFFFE;
	v16 =	vld [tilespmem:s4+$0x36B0]  }
0x9f: {  	s31 =	smov.u32 s23;
	v17 =	vld [tilespmem:s4+$0x36B8];
	s28 =	ssub.s32 s29, s3;
	s3 =	simm.s32 $0x0  }
.LBB2_5:
0xa0: {  	_ =	sdelay $0x1  }
0xa1: {  	v18 =	vld.idx.msk [tilespmem:v5+s17+$0x0], $0xffff  }
0xa2: {  	v19 =	vld.idx.msk [tilespmem:v6+s17+$0x0], $0xffff  }
0xa3: {  	v20 =	vld.idx.msk [tilespmem:v7+s17+$0x0], $0xffff  }
0xa4: {  	s0 =	sand.u32 $0xF800, s31;
	s4 =	sand.u32 $0x300, s3  }
0xa5: {  	v21 =	vld.idx.msk [tilespmem:v8+s17+$0x0], $0xffff;
	s0 =	sor.u32 s4, s0  }
0xa6: {  	v22 =	vld.idx.msk [tilespmem:v9+s17+$0x0], $0xffff;
	[tilespmem:s0+$0x3880] =	vst v18  }
0xa7: {  	v18 =	vld.idx.msk [tilespmem:v10+s17+$0x0], $0xffff;
	[tilespmem:s0+$0x3890] =	vst v19  }
0xa8: {  	v19 =	vld.idx.msk [tilespmem:v11+s17+$0x0], $0xffff;
	[tilespmem:s0+$0x38A0] =	vst v20  }
0xa9: {  	v20 =	vld.idx.msk [tilespmem:v12+s17+$0x0], $0xffff  }
0xaa: {  	[tilespmem:s0+$0x38B0] =	vst v21  }
0xab: {  	v21 =	vld.idx.msk [tilespmem:v13+s17+$0x0], $0xffff;
	[tilespmem:s0+$0x38C0] =	vst v22  }
0xac: {  	v22 =	vld.idx.msk [tilespmem:v14+s17+$0x0], $0xffff;
	[tilespmem:s0+$0x38D0] =	vst v18  }
0xad: {  	v18 =	vld.idx.msk [tilespmem:v15+s17+$0x0], $0xffff;
	[tilespmem:s0+$0x38E0] =	vst v19  }
0xae: {  	v19 =	vld.idx.msk [tilespmem:v16+s17+$0x0], $0xffff;
	[tilespmem:s0+$0x38F0] =	vst v20  }
0xaf: {  	v20 =	vld.idx.msk [tilespmem:v17+s17+$0x0], $0xffff  }
0xb0: {  	v56 =	vadd.s32 $0x42, v5;
	[tilespmem:s0+$0x3C80] =	vst v21  }
0xb1: {  	v57 =	vadd.s32 $0x42, v6;
	[tilespmem:s0+$0x3C90] =	vst v22  }
0xb2: {  	[tilespmem:s0+$0x3CA0] =	vst v18;
	v18 =	vadd.s32 $0x42, v7  }
0xb3: {  	[tilespmem:s0+$0x3CB0] =	vst v19  }
0xb4: {  	v19 =	vadd.s32 $0x42, v8;
	[tilespmem:s0+$0x3CB8] =	vst v20  }
0xb5: {  	v58 =	vadd.s32 $0x42, v9;
	v21 =	vld.idx.msk [tilespmem:v56+s17+$0x0], $0xffff  }
0xb6: {  	v23 =	vadd.s32 $0x42, v10;
	v22 =	vld.idx.msk [tilespmem:v57+s17+$0x0], $0xffff  }
0xb7: {  	v24 =	vadd.s32 $0x42, v11;
	v18 =	vld.idx.msk [tilespmem:v18+s17+$0x0], $0xffff  }
0xb8: {  	v25 =	vadd.s32 $0x42, v12  }
0xb9: {  	v19 =	vld.idx.msk [tilespmem:v19+s17+$0x0], $0xffff  }
0xba: {  	v59 =	vadd.s32 $0x42, v13;
	v20 =	vld.idx.msk [tilespmem:v58+s17+$0x0], $0xffff;
	[tilespmem:s0+$0x3900] =	vst v21  }
0xbb: {  	v60 =	vadd.s32 $0x42, v14;
	v21 =	vld.idx.msk [tilespmem:v23+s17+$0x0], $0xffff;
	[tilespmem:s0+$0x3910] =	vst v22  }
0xbc: {  	v61 =	vadd.s32 $0x42, v15;
	v22 =	vld.idx.msk [tilespmem:v24+s17+$0x0], $0xffff;
	[tilespmem:s0+$0x3920] =	vst v18  }
0xbd: {  	v62 =	vadd.s32 $0x42, v16;
	v18 =	vld.idx.msk [tilespmem:v25+s17+$0x0], $0xffff  }
0xbe: {  	v63 =	vadd.s32 $0x42, v17;
	[tilespmem:s0+$0x3930] =	vst v19  }
0xbf: {  	v19 =	vld.idx.msk [tilespmem:v59+s17+$0x0], $0xffff;
	[tilespmem:s0+$0x3940] =	vst v20  }
0xc0: {  	v20 =	vld.idx.msk [tilespmem:v60+s17+$0x0], $0xffff;
	[tilespmem:s0+$0x3950] =	vst v21  }
0xc1: {  	v21 =	vld.idx.msk [tilespmem:v61+s17+$0x0], $0xffff;
	[tilespmem:s0+$0x3960] =	vst v22  }
0xc2: {  	s30 =	sadd.s32 $0x2, s30;
	v22 =	vld.idx.msk [tilespmem:v62+s17+$0x0], $0xffff;
	[tilespmem:s0+$0x3970] =	vst v18  }
0xc3: {  	p0 =	slt.u32 s30, $0x3E;
	v18 =	vld.idx.msk [tilespmem:v63+s17+$0x0], $0xffff  }
.Ltmp1:
0xc4: {  	v5 =	vadd.s32 $0x84, v5;
	[tilespmem:s0+$0x3D00] =	vst v19;
	(pc) =	sbr.rel @p0 .LBB2_5-.Ltmp1, $4  }
0xc5: {  	v6 =	vadd.s32 $0x84, v6;
	v9 =	vadd.s32 $0x84, v9;
	v10 =	vadd.s32 $0x84, v10;
	[tilespmem:s0+$0x3D10] =	vst v20  }
0xc6: {  	v11 =	vadd.s32 $0x84, v11;
	v12 =	vadd.s32 $0x84, v12;
	v13 =	vadd.s32 $0x84, v13;
	[tilespmem:s0+$0x3D20] =	vst v21  }
0xc7: {  	v14 =	vadd.s32 $0x84, v14;
	v15 =	vadd.s32 $0x84, v15;
	v16 =	vadd.s32 $0x84, v16;
	[tilespmem:s0+$0x3D30] =	vst v22  }
0xc8: {  	s3 =	sadd.s32 $0x100, s3;
	s31 =	sadd.s32 $0x200, s31;
	v17 =	vadd.s32 $0x84, v17;
	v7 =	vadd.s32 $0x84, v7;
	v8 =	vadd.s32 $0x84, v8;
	[tilespmem:s0+$0x3D38] =	vst v18  }
0xc9: {  	p0 =	sgt.u32 s24, $0x16  }
0xca: {  	s0 =	sadd.s32 @!p0 $0x2, s29  }
0xcb: {  	s3 =	smulhi.u32 @!p0 $0x51EB851F, s0;
	_ =	sdelay $0x1  }
0xcc: {  	s3 =	sshrl.u32 @!p0 s3, $0x6  }
0xcd: {  	s4 =	smul.u32 @!p0 $0xC8, s3;
	_ =	sdelay $0x1  }
0xce: {  	s0 =	ssub.s32 @!p0 s0, s4  }
0xcf: {  	s3 =	smul.u32 @!p0 $0xC800, s3;
	s4 =	sshll.u32 @!p0 s0, $0x8  }
0xd0: {  	s0 =	sshll.u32 @!p0 s0, $0x7;
	s4 =	sand.u32 @!p0 $0xF800, s4  }
0xd1: {  	s0 =	sand.u32 @!p0 $0x380, s0;
	s3 =	sadd.s32 @!p0 s3, s4  }
0xd2: {  	s4 =	sxor.u32 @!p0 $0x2, s25;
	s0 =	sor.u32 @!p0 s0, s3  }
0xd3: {  	s3 =	sadd.s32 @!p0 $0x1, s4;
	s4 =	sshll.u32 @!p0 s4, $0x7;
	s0 =	sshrl.u32 @!p0 s0, $0x3  }
0xd4: {  	s30 =	simm.s32 @!p0 $0x0;
	s29 =	sadd.s32 @!p0 $0x3480, s4;
	s0 =	sadd.s32 @!p0 s2, s0  }
0xd5: {  	[tilespmem:s29], [sflag:s3] =	stream.linear.gather @!p0 [hbm4b:s0+s30], $0x80, $0x38;
	[tilespmem:$0x13880] =	vst v63  }
0xd6: {  	s24 =	sadd.s32 $0x1, s24;
	s4 =	sadd.s32 @!p0 $0x3680, s4;
	s0 =	sadd.s32 @!p0 $0x80, s0  }
0xd7: {  	[tilespmem:s4], [sflag:s3] =	stream.linear.gather @!p0 [hbm4b:s0+s30], $0x80, $0x38;
	[tilespmem:$0x13880] =	vst v63  }
0xd8: {  	s26 =	smul.u32 $0x320000, s26;
	p0 =	sne.s32 s24, $0x19  }
.Ltmp2:
0xd9: {  	s29 =	sshll.u32 s28, $0xE;
	(pc) =	sbr.rel @p0 .LBB2_4-.Ltmp2, $4  }
0xda: {  	s0 =	sadd.s32 s29, s26  }
0xdb: {  	s31 =	sadd.s32 $0x5, s25;
	s30 =	sshll.u32 s25, $0xE;
	s0 =	sshrl.u32 s0, $0x3  }
0xdc: {  	s23 =	sadd.s32 $0x4000, s23;
	s3 =	sor.u32 $0x3880, s30;
	s0 =	sadd.s32 s5, s0  }
0xdd: {  	[hbm4b:s0+s6] =	stream.linear.scatter [tilespmem:s3], [sflag:s31], $0x4000, $0x38;
	[tilespmem:$0x13880] =	vst v63  }
0xde: {  	_ =	swait.ge [sflag:s18], $0x4000  }
0xdf: {  	[sflag:s18] =	ssyncset.done $0x0  }
0xe0: {  	[sflag:s18] =	ssyncadd.s32 $0xFFFFC000  }
0xe1: {  	_ =	swait.ge [sflag:s19], $0x4000  }
0xe2: {  	[sflag:s19] =	ssyncset.done $0x0  }
0xe3: {  	s22 =	sadd.s32 $0x1, s22;
	[sflag:s19] =	ssyncadd.s32 $0xFFFFC000  }
0xe4: {  	p0 =	sne.s32 s22, s9;
	_ =	swait.ge [sflag:s20], $0x4000  }
.Ltmp3:
0xe5: {  	[sflag:s20] =	ssyncset.done $0x0;
	(pc) =	sbr.rel @p0 .LBB2_1-.Ltmp3, $4  }
0xe6: {  	[sflag:s20] =	ssyncadd.s32 $0xFFFFC000  }
0xe7: {  	_ =	swait.ge [sflag:s21], $0x4000  }
0xe8: {  	[sflag:s21] =	ssyncset.done $0x0  }
0xe9: {  	[sflag:s21] =	ssyncadd.s32 $0xFFFFC000  }
0xea: {  	_ =	sfence.sel $0x180000  }
0xeb: {  	[bflag:$0x0] =	sbarrier.arrive $0xFFFF  }
0xec: {  	_ =	strace $0x90000047  }
0xed: {  	s0 =	stileid.u32;
	[bflag:$0x2] =	sbarrier.arrive $0xFFFF  }
0xee: {  	p0 =	sne.s32 s0, $0x0;
	s0 =	rddreg [dreg:$0x3]  }
0xef: {  	s0 =	sadd.s32 @!p0 $0x100000, s0  }
0xf0: {  	[sflag:s0] =	ssyncadd.tile.s32 @!p0 $0x1;
	_ =	shalt  }
.Lfunc_end2:
_tile_overlayer_lowered:
.L_overlay_start_2:
0xf1: {  	(tag) =	ssettag $0x2  }
0xf2: {  	s0 =	rddreg [dreg:$0x0];
	s2 =	stileid.u32  }
0xf3: {  	s1 =	rddreg [dreg:$0x1];
	p0 =	sne.s32 s2, $0x0  }
0xf4: {  	s3 =	rddreg [dreg:$0x2];
	[bflag:$0x3] =	sbarrier.arrive $0xFFFF;
	s2 =	simm.s32 @!p0 $0x1C09  }
0xf5: {  	[timem:s3], [sflag:s2] =	dma.local @!p0 [hbm:s0], s1  }
0xf6: {  	s0 =	simm.s32 @!p0 $0x9  }
0xf7: {  	_ =	swait.ge @!p0 [sflag:s0], s1  }
0xf8: {  	s1 =	ssub.s32 @!p0 $0x0, s1;
	[sflag:s0] =	ssyncset.done @!p0 $0x0  }
0xf9: {  	[sflag:s0] =	ssyncadd.s32 @!p0 s1  }
0xfa: {  	[bflag:$0x3] =	sbarrier.arrive $0xFFFF  }
0xfb: {  	_ =	shalt  }

</sc_bundles>
